<compile_context>
chip_gen: v7x
topology: tpu7x:2x2x1
jax: 0.10.2.dev20260603
libtpu: 0.0.44.dev20260713+nightly
codegen_flags: <defaults>
</compile_context>

<pallas_src>
import functools

import jax
import jax.numpy as jnp
from jax import lax
from jax.experimental import pallas as pl
from jax.experimental.pallas import tpu as pltpu
from jax.experimental.pallas import tpu_sc as plsc

EMBED = 64
NCLASS = 4
NC, NS, L = 2, 16, 16
NW = NC * NS
CHUNK = 1024


def _project_tc(table_t, fc_w):
    V = table_t.shape[1]
    rb = 16384
    def body(w_ref, x_ref, *o_refs):
        p = jnp.dot(w_ref[...], x_ref[...],
                    preferred_element_type=jnp.float32)
        for c in range(NCLASS):
            o_refs[c][...] = jnp.squeeze(p[c:c + 1, :], axis=0)
    return pl.pallas_call(
        body,
        grid=(pl.cdiv(V, rb),),
        in_specs=[pl.BlockSpec((NCLASS, EMBED), lambda i: (0, 0)),
                  pl.BlockSpec((EMBED, rb), lambda i: (0, i))],
        out_specs=[pl.BlockSpec((rb,), lambda i: (i,))
                   for _ in range(NCLASS)],
        out_shape=[jax.ShapeDtypeStruct((V,), jnp.float32)
                   for _ in range(NCLASS)],
    )(fc_w, table_t)


def _bag_sums_sc(text_pad, offs_ext, projs, zeros_rows, B):
    b_per_w = B // NW
    acc_rows = b_per_w + 8
    plane = NS * acc_rows
    bs_steps = max(1, (b_per_w - 1).bit_length())
    mesh = plsc.VectorSubcoreMesh(core_axis_name="c", subcore_axis_name="s",
                                  num_cores=NC, num_subcores=NS)

    @functools.partial(
        pl.kernel,
        out_type=jax.ShapeDtypeStruct((NCLASS, B), jnp.float32),
        mesh=mesh,
        scratch_types=[
            pltpu.VMEM((acc_rows,), jnp.int32),
            pltpu.VMEM((CHUNK,), jnp.int32),
            pltpu.VMEM((CHUNK,), jnp.int32),
            [pltpu.VMEM((CHUNK,), jnp.float32) for _ in range(NCLASS)],
            [pltpu.VMEM_SHARED((plane,), jnp.float32)
             for _ in range(NCLASS)],
            pltpu.SemaphoreType.DMA,
        ],
        compiler_params=pltpu.CompilerParams(
            needs_layout_passes=False, use_tc_tiling_on_sc=False),
    )
    def k(text_hbm, offs_hbm, p0, p1, p2, p3, zeros_hbm, out_hbm,
          offs_v, idx_v, sidx, val, accs, sem):
        proj = (p0, p1, p2, p3)
        cid = lax.axis_index("c")
        sid = lax.axis_index("s")
        wid = sid * NC + cid
        bag0 = pl.multiple_of(wid * b_per_w, 8)
        slot0 = pl.multiple_of(sid * acc_rows, 8)

        pltpu.sync_copy(offs_hbm.at[pl.ds(bag0, acc_rows)], offs_v)
        for c in range(NCLASS):
            pltpu.sync_copy(zeros_hbm, accs[c].at[pl.ds(slot0, acc_rows)])

        v_head = offs_v[pl.ds(0, L)]
        t_start = v_head[0]
        v_tail = offs_v[pl.ds(b_per_w - 8, L)]
        t_end = v_tail[8]
        s0 = t_start - lax.rem(t_start, 8)
        n_chunks = lax.div(t_end - s0 + (CHUNK - 1), CHUNK)

        lanes = lax.iota(jnp.int32, L)

        def chunk_body(j, carry):
            s = pl.multiple_of(s0 + j * CHUNK, 8)
            pltpu.sync_copy(text_hbm.at[pl.ds(s, CHUNK)], idx_v)

            cps = [pltpu.async_copy(proj[c].at[idx_v], val[c], sem)
                   for c in range(NCLASS)]

            def seg_body(g, cc):
                t = s + g * L + lanes
                valid = (t >= t_start) & (t < t_end)
                lo = jnp.zeros((L,), jnp.int32)
                hi = jnp.full((L,), b_per_w, jnp.int32)
                for _ in range(bs_steps):
                    mid = (lo + hi) >> 1
                    v = plsc.load_gather(offs_v, [mid])
                    pred = v <= t
                    lo = jnp.where(pred, mid, lo)
                    hi = jnp.where(pred, hi, mid)
                seg = slot0 + jnp.where(valid, lo, jnp.int32(b_per_w))
                sidx[pl.ds(g * L, L)] = seg
                return cc
            lax.fori_loop(0, CHUNK // L, seg_body, 0)

            for cp in cps:
                cp.wait()
            for c in range(NCLASS):
                pltpu.sync_copy(val[c], accs[c].at[sidx], add=True)
            return carry

        lax.fori_loop(0, n_chunks, chunk_body, 0)

        for c in range(NCLASS):
            pltpu.sync_copy(accs[c].at[pl.ds(slot0, b_per_w)],
                            val[c].at[pl.ds(0, b_per_w)])
            pltpu.sync_copy(val[c].at[pl.ds(0, b_per_w)],
                            out_hbm.at[c, pl.ds(bag0, b_per_w)])

    return k(text_pad, offs_ext, *projs, zeros_rows)


def _finish_tc(sums_t, offs, offs_next, fc_b_row):
    def body(sums_ref, offs_ref, offsn_ref, b_ref, out_ref):
        counts = (offsn_ref[...] - offs_ref[...]).astype(jnp.float32)
        inv = 1.0 / jnp.maximum(counts, 1.0)
        out_ref[...] = sums_ref[...].T * inv + b_ref[...]

    B = sums_t.shape[1]
    return pl.pallas_call(
        body,
        out_shape=jax.ShapeDtypeStruct((B, NCLASS), jnp.float32),
    )(sums_t, offs, offs_next, fc_b_row)


def kernel(text, offsets, table, fc_w, fc_b):
    T = text.shape[0]
    B = offsets.shape[0]
    b_per_w = B // NW
    acc_rows = b_per_w + 8

    projs = _project_tc(table.T, fc_w)

    text_pad = jnp.concatenate(
        [text.astype(jnp.int32), jnp.zeros((CHUNK + 8,), jnp.int32)])
    offs32 = offsets.astype(jnp.int32)
    offs_ext = jnp.concatenate([offs32, jnp.full((8,), T, jnp.int32)])
    zeros_rows = jnp.zeros((acc_rows,), jnp.float32)

    sums_t = _bag_sums_sc(text_pad, offs_ext, projs, zeros_rows, B)

    offs_next = jnp.concatenate([offs32[1:], jnp.full((1,), T, jnp.int32)])
    out = _finish_tc(sums_t, offs32[:, None], offs_next[:, None],
                     fc_b[None, :])
    return out

# --- scband reference (transcript-rebuilt; emitter-appended) ---
"""Pipeline reference for scband-text-sentiment-41970420417243 (READ-ONLY COPY).

The authoritative reference and input builder live on the scoring server;
editing this copy changes nothing except your own understanding.
"""

import jax, jax.numpy as jnp
import numpy as np

VOCAB = 1000000
EMBED = 64
NCLASS = 4
B = 4096
T = 204800


def setup_inputs(seed: int = 0) -> dict:
    key = jax.random.key(seed)
    k1, k2, k3, k4 = jax.random.split(key, 4)
    text = jax.random.randint(k1, (T,), 0, VOCAB)
    offsets = jnp.sort(jax.random.randint(k2, (B,), 0, T)).at[0].set(0)
    # learned params (EmbeddingBag weight uniform(-0.5,0.5), fc weight uniform(-0.5,0.5), fc bias zeros)
    table = jax.random.uniform(k3, (VOCAB, EMBED), minval=-0.5, maxval=0.5, dtype=jnp.float32)
    fc_w = jax.random.uniform(k4, (NCLASS, EMBED), minval=-0.5, maxval=0.5, dtype=jnp.float32)
    fc_b = jnp.zeros((NCLASS,), dtype=jnp.float32)
    return {"text": text, "offsets": offsets, "table": table, "fc_w": fc_w, "fc_b": fc_b}


def reference(text, offsets, table, fc_w, fc_b):
    # EmbeddingBag(mode='mean'): gather embeddings, mean-pool within each bag
    T_ = text.shape[0]
    B_ = offsets.shape[0]
    # map each token position to its bag id via offsets (offsets is sorted, offsets[0]==0)
    seg = jnp.searchsorted(offsets, jnp.arange(T_), side='right') - 1
    emb = jnp.take(table, text, axis=0)  # [T, EMBED] gather
    sums = jax.ops.segment_sum(emb, seg, num_segments=B_)
    counts = jax.ops.segment_sum(jnp.ones((T_,), dtype=jnp.float32), seg, num_segments=B_)
    pooled = sums / jnp.maximum(counts, 1.0)[:, None]  # empty bags -> zeros, like PyTorch
    out = pooled @ fc_w.T + fc_b
    return out

if __name__ == "__main__":
    import jax
    _d = setup_inputs()
    print(jax.jit(kernel)(*tuple(_d.values())))

</pallas_src>

<mosaic_0001>
#map = affine_map<(d0, d1) -> (0)>
#map1 = affine_map<(d0, d1) -> (0, 0)>
module attributes {stable_mosaic.version = 14 : i64} {
  func.func @k(%arg0: i32, %arg1: i32, %arg2: memref<205832xi32, #tpu.memory_space<hbm>>, %arg3: memref<4104xi32, #tpu.memory_space<hbm>>, %arg4: memref<1000000xf32, #tpu.memory_space<hbm>>, %arg5: memref<1000000xf32, #tpu.memory_space<hbm>>, %arg6: memref<1000000xf32, #tpu.memory_space<hbm>>, %arg7: memref<1000000xf32, #tpu.memory_space<hbm>>, %arg8: memref<136xf32, #tpu.memory_space<hbm>>, %arg9: memref<4x4096xf32, #tpu.memory_space<hbm>>, %arg10: memref<136xi32, #tpu.memory_space<vmem>>, %arg11: memref<1024xi32, #tpu.memory_space<vmem>>, %arg12: memref<1024xi32, #tpu.memory_space<vmem>>, %arg13: memref<1024xf32, #tpu.memory_space<vmem>>, %arg14: memref<1024xf32, #tpu.memory_space<vmem>>, %arg15: memref<1024xf32, #tpu.memory_space<vmem>>, %arg16: memref<1024xf32, #tpu.memory_space<vmem>>, %arg17: memref<2176xf32, #tpu.memory_space<vmem_shared>>, %arg18: memref<2176xf32, #tpu.memory_space<vmem_shared>>, %arg19: memref<2176xf32, #tpu.memory_space<vmem_shared>>, %arg20: memref<2176xf32, #tpu.memory_space<vmem_shared>>, %arg21: memref<!tpu.dma_semaphore, #tpu.memory_space<semaphore_mem>>) attributes {dimension_semantics = [#tpu.dimension_semantics<core_parallel>, #tpu.dimension_semantics<subcore_parallel>], iteration_bounds = array<i64: 2, 16>, scalar_prefetch = 0 : i64, scratch_operands = 12 : i64, tpu.core_type = #tpu.core_type<sc_vector_subcore>, window_params = [{transform_indices = #map}, {transform_indices = #map}, {transform_indices = #map}, {transform_indices = #map}, {transform_indices = #map}, {transform_indices = #map}, {transform_indices = #map}, {transform_indices = #map1}]} {
    %mul3A = arith.constant 2 : i32
    %mul3A_0 = arith.muli %arg1, %mul3A : i32
    %add3A = arith.addi %mul3A_0, %arg0 : i32
    %mul3A_1 = arith.constant 128 : i32
    %mul3A_2 = arith.muli %add3A, %mul3A_1 : i32
    %multiple_of3A = tpu.assume_multiple %mul3A_2, 8 : i32
    %mul3A_3 = arith.constant 136 : i32
    %mul3A_4 = arith.muli %arg1, %mul3A_3 : i32
    %multiple_of3A_5 = tpu.assume_multiple %mul3A_4, 8 : i32
    "tpu.region"() ({
      %run_scoped3A_28 = tpu.sem_alloc : memref<!tpu.dma_semaphore, #tpu.memory_space<semaphore_mem>>
      %dma_start3A = tpu.memref_slice %arg3[%multiple_of3A] : memref<4104xi32, #tpu.memory_space<hbm>> -> memref<136xi32, #tpu.memory_space<hbm>>
      %dma_start3A_29 = tpu.memref_slice %arg3[%multiple_of3A] : memref<4104xi32, #tpu.memory_space<hbm>> -> memref<136xi32, #tpu.memory_space<hbm>>
      tpu.enqueue_dma source(%dma_start3A_29 : memref<136xi32, #tpu.memory_space<hbm>>) target(%arg10 : memref<136xi32, #tpu.memory_space<vmem>>) target_semaphore(%run_scoped3A_28 : memref<!tpu.dma_semaphore, #tpu.memory_space<semaphore_mem>>)
      %dma_wait3A = tpu.memref_slice %arg3[%multiple_of3A] : memref<4104xi32, #tpu.memory_space<hbm>> -> memref<136xi32, #tpu.memory_space<hbm>>
      %dma_wait3A_30 = tpu.memref_slice %arg3[%multiple_of3A] : memref<4104xi32, #tpu.memory_space<hbm>> -> memref<136xi32, #tpu.memory_space<hbm>>
      tpu.wait_dma2 semaphore(%run_scoped3A_28 : memref<!tpu.dma_semaphore, #tpu.memory_space<semaphore_mem>>) src(%dma_wait3A_30 : memref<136xi32, #tpu.memory_space<hbm>>) dst(%arg10 : memref<136xi32, #tpu.memory_space<vmem>>)
      tpu.yield
    }) : () -> ()
    "tpu.region"() ({
      %run_scoped3A_28 = tpu.sem_alloc : memref<!tpu.dma_semaphore, #tpu.memory_space<semaphore_mem>>
      %dma_start3A = tpu.memref_slice %arg17[%multiple_of3A_5] : memref<2176xf32, #tpu.memory_space<vmem_shared>> -> memref<136xf32, #tpu.memory_space<vmem_shared>>
      tpu.enqueue_dma source(%arg8 : memref<136xf32, #tpu.memory_space<hbm>>) target(%dma_start3A : memref<136xf32, #tpu.memory_space<vmem_shared>>) target_semaphore(%run_scoped3A_28 : memref<!tpu.dma_semaphore, #tpu.memory_space<semaphore_mem>>)
      %dma_wait3A = tpu.memref_slice %arg17[%multiple_of3A_5] : memref<2176xf32, #tpu.memory_space<vmem_shared>> -> memref<136xf32, #tpu.memory_space<vmem_shared>>
      tpu.wait_dma2 semaphore(%run_scoped3A_28 : memref<!tpu.dma_semaphore, #tpu.memory_space<semaphore_mem>>) src(%arg8 : memref<136xf32, #tpu.memory_space<hbm>>) dst(%dma_wait3A : memref<136xf32, #tpu.memory_space<vmem_shared>>)
      tpu.yield
    }) : () -> ()
    "tpu.region"() ({
      %run_scoped3A_28 = tpu.sem_alloc : memref<!tpu.dma_semaphore, #tpu.memory_space<semaphore_mem>>
      %dma_start3A = tpu.memref_slice %arg18[%multiple_of3A_5] : memref<2176xf32, #tpu.memory_space<vmem_shared>> -> memref<136xf32, #tpu.memory_space<vmem_shared>>
      tpu.enqueue_dma source(%arg8 : memref<136xf32, #tpu.memory_space<hbm>>) target(%dma_start3A : memref<136xf32, #tpu.memory_space<vmem_shared>>) target_semaphore(%run_scoped3A_28 : memref<!tpu.dma_semaphore, #tpu.memory_space<semaphore_mem>>)
      %dma_wait3A = tpu.memref_slice %arg18[%multiple_of3A_5] : memref<2176xf32, #tpu.memory_space<vmem_shared>> -> memref<136xf32, #tpu.memory_space<vmem_shared>>
      tpu.wait_dma2 semaphore(%run_scoped3A_28 : memref<!tpu.dma_semaphore, #tpu.memory_space<semaphore_mem>>) src(%arg8 : memref<136xf32, #tpu.memory_space<hbm>>) dst(%dma_wait3A : memref<136xf32, #tpu.memory_space<vmem_shared>>)
      tpu.yield
    }) : () -> ()
    "tpu.region"() ({
      %run_scoped3A_28 = tpu.sem_alloc : memref<!tpu.dma_semaphore, #tpu.memory_space<semaphore_mem>>
      %dma_start3A = tpu.memref_slice %arg19[%multiple_of3A_5] : memref<2176xf32, #tpu.memory_space<vmem_shared>> -> memref<136xf32, #tpu.memory_space<vmem_shared>>
      tpu.enqueue_dma source(%arg8 : memref<136xf32, #tpu.memory_space<hbm>>) target(%dma_start3A : memref<136xf32, #tpu.memory_space<vmem_shared>>) target_semaphore(%run_scoped3A_28 : memref<!tpu.dma_semaphore, #tpu.memory_space<semaphore_mem>>)
      %dma_wait3A = tpu.memref_slice %arg19[%multiple_of3A_5] : memref<2176xf32, #tpu.memory_space<vmem_shared>> -> memref<136xf32, #tpu.memory_space<vmem_shared>>
      tpu.wait_dma2 semaphore(%run_scoped3A_28 : memref<!tpu.dma_semaphore, #tpu.memory_space<semaphore_mem>>) src(%arg8 : memref<136xf32, #tpu.memory_space<hbm>>) dst(%dma_wait3A : memref<136xf32, #tpu.memory_space<vmem_shared>>)
      tpu.yield
    }) : () -> ()
    "tpu.region"() ({
      %run_scoped3A_28 = tpu.sem_alloc : memref<!tpu.dma_semaphore, #tpu.memory_space<semaphore_mem>>
      %dma_start3A = tpu.memref_slice %arg20[%multiple_of3A_5] : memref<2176xf32, #tpu.memory_space<vmem_shared>> -> memref<136xf32, #tpu.memory_space<vmem_shared>>
      tpu.enqueue_dma source(%arg8 : memref<136xf32, #tpu.memory_space<hbm>>) target(%dma_start3A : memref<136xf32, #tpu.memory_space<vmem_shared>>) target_semaphore(%run_scoped3A_28 : memref<!tpu.dma_semaphore, #tpu.memory_space<semaphore_mem>>)
      %dma_wait3A = tpu.memref_slice %arg20[%multiple_of3A_5] : memref<2176xf32, #tpu.memory_space<vmem_shared>> -> memref<136xf32, #tpu.memory_space<vmem_shared>>
      tpu.wait_dma2 semaphore(%run_scoped3A_28 : memref<!tpu.dma_semaphore, #tpu.memory_space<semaphore_mem>>) src(%arg8 : memref<136xf32, #tpu.memory_space<hbm>>) dst(%dma_wait3A : memref<136xf32, #tpu.memory_space<vmem_shared>>)
      tpu.yield
    }) : () -> ()
    %get3A = arith.constant 0 : index
    %get3A_6 = tpu.vector_load %arg10[%get3A] {strides = array<i32>} : memref<136xi32, #tpu.memory_space<vmem>>, vector<16xi32>,
    %slice3A = vector.extract_strided_slice %get3A_6 {offsets = [0], sizes = [1], strides = [1]} : vector<16xi32> to vector<1xi32>
    %squeeze3A = vector.extract %slice3A[0] : i32 from vector<1xi32>
    %get3A_7 = arith.constant 120 : index
    %get3A_8 = tpu.vector_load %arg10[%get3A_7] {strides = array<i32>} : memref<136xi32, #tpu.memory_space<vmem>>, vector<16xi32>,
    %slice3A_9 = vector.extract_strided_slice %get3A_8 {offsets = [8], sizes = [1], strides = [1]} : vector<16xi32> to vector<1xi32>
    %squeeze3A_10 = vector.extract %slice3A_9[0] : i32 from vector<1xi32>
    %rem3A = arith.constant 8 : i32
    %rem3A_11 = arith.remsi %squeeze3A, %rem3A : i32
    %sub3A = arith.subi %squeeze3A, %rem3A_11 : i32
    %sub3A_12 = arith.subi %squeeze3A_10, %sub3A : i32
    %add3A_13 = arith.constant 1023 : i32
    %add3A_14 = arith.addi %sub3A_12, %add3A_13 : i32
    %div3A = arith.constant 1024 : i32
    %div3A_15 = arith.divsi %add3A_14, %div3A : i32
    %iota3A = tpu.iota {dimensions = array<i32: 0>} : vector<16xi32>
    %while3A = arith.constant 0 : i32
    %while3A_16 = arith.constant 0 : i32
    %while3A_17 = arith.subi %div3A_15, %while3A_16 : i32
    %while3A_18 = arith.addi %while3A_16, %while3A_17 : i32
    %while3A_19 = arith.constant 1 : i32
    %while3A_20 = arith.divsi %while3A_17, %while3A_19 : i32
    %while3A_21 = arith.muli %while3A_20, %while3A_19 : i32
    %while3A_22 = arith.addi %while3A_16, %while3A_21 : i32
    %while3A_23 = arith.constant 1 : i32
    scf.for %while3A_28 = %while3A_16 to %while3A_22 step %while3A_23  : i32 {
      %mul3A_29 = arith.constant 1024 : i32
      %mul3A_30 = arith.muli %while3A_28, %mul3A_29 : i32
      %add3A_31 = arith.addi %sub3A, %mul3A_30 : i32
      %multiple_of3A_32 = tpu.assume_multiple %add3A_31, 8 : i32
      "tpu.region"() ({
        %run_scoped3A_52 = tpu.sem_alloc : memref<!tpu.dma_semaphore, #tpu.memory_space<semaphore_mem>>
        %dma_start3A_53 = tpu.memref_slice %arg2[%multiple_of3A_32] : memref<205832xi32, #tpu.memory_space<hbm>> -> memref<1024xi32, #tpu.memory_space<hbm>>
        %dma_start3A_54 = tpu.memref_slice %arg2[%multiple_of3A_32] : memref<205832xi32, #tpu.memory_space<hbm>> -> memref<1024xi32, #tpu.memory_space<hbm>>
        tpu.enqueue_dma source(%dma_start3A_54 : memref<1024xi32, #tpu.memory_space<hbm>>) target(%arg11 : memref<1024xi32, #tpu.memory_space<vmem>>) target_semaphore(%run_scoped3A_52 : memref<!tpu.dma_semaphore, #tpu.memory_space<semaphore_mem>>)
        %dma_wait3A_55 = tpu.memref_slice %arg2[%multiple_of3A_32] : memref<205832xi32, #tpu.memory_space<hbm>> -> memref<1024xi32, #tpu.memory_space<hbm>>
        %dma_wait3A_56 = tpu.memref_slice %arg2[%multiple_of3A_32] : memref<205832xi32, #tpu.memory_space<hbm>> -> memref<1024xi32, #tpu.memory_space<hbm>>
        tpu.wait_dma2 semaphore(%run_scoped3A_52 : memref<!tpu.dma_semaphore, #tpu.memory_space<semaphore_mem>>) src(%dma_wait3A_56 : memref<1024xi32, #tpu.memory_space<hbm>>) dst(%arg11 : memref<1024xi32, #tpu.memory_space<vmem>>)
        tpu.yield
      }) : () -> ()
      %dma_start3A = arith.constant 0 : i32
      %dma_start3A_33 = tpu.memref_slice %arg4[%dma_start3A] : memref<1000000xf32, #tpu.memory_space<hbm>> -> memref<1000000xf32, #tpu.memory_space<hbm>>
      tpu.enqueue_indirect_dma source(%dma_start3A_33 : memref<1000000xf32, #tpu.memory_space<hbm>>) target(%arg13 : memref<1024xf32, #tpu.memory_space<vmem>>) offsets(%arg11 : memref<1024xi32, #tpu.memory_space<vmem>>) semaphore(%arg21 : memref<!tpu.dma_semaphore, #tpu.memory_space<semaphore_mem>>)
      %dma_start3A_34 = arith.constant 0 : i32
      %dma_start3A_35 = tpu.memref_slice %arg5[%dma_start3A_34] : memref<1000000xf32, #tpu.memory_space<hbm>> -> memref<1000000xf32, #tpu.memory_space<hbm>>
      tpu.enqueue_indirect_dma source(%dma_start3A_35 : memref<1000000xf32, #tpu.memory_space<hbm>>) target(%arg14 : memref<1024xf32, #tpu.memory_space<vmem>>) offsets(%arg11 : memref<1024xi32, #tpu.memory_space<vmem>>) semaphore(%arg21 : memref<!tpu.dma_semaphore, #tpu.memory_space<semaphore_mem>>)
      %dma_start3A_36 = arith.constant 0 : i32
      %dma_start3A_37 = tpu.memref_slice %arg6[%dma_start3A_36] : memref<1000000xf32, #tpu.memory_space<hbm>> -> memref<1000000xf32, #tpu.memory_space<hbm>>
      tpu.enqueue_indirect_dma source(%dma_start3A_37 : memref<1000000xf32, #tpu.memory_space<hbm>>) target(%arg15 : memref<1024xf32, #tpu.memory_space<vmem>>) offsets(%arg11 : memref<1024xi32, #tpu.memory_space<vmem>>) semaphore(%arg21 : memref<!tpu.dma_semaphore, #tpu.memory_space<semaphore_mem>>)
      %dma_start3A_38 = arith.constant 0 : i32
      %dma_start3A_39 = tpu.memref_slice %arg7[%dma_start3A_38] : memref<1000000xf32, #tpu.memory_space<hbm>> -> memref<1000000xf32, #tpu.memory_space<hbm>>
      tpu.enqueue_indirect_dma source(%dma_start3A_39 : memref<1000000xf32, #tpu.memory_space<hbm>>) target(%arg16 : memref<1024xf32, #tpu.memory_space<vmem>>) offsets(%arg11 : memref<1024xi32, #tpu.memory_space<vmem>>) semaphore(%arg21 : memref<!tpu.dma_semaphore, #tpu.memory_space<semaphore_mem>>)
      %scan3A = arith.constant 0 : i32
      %scan3A_40 = arith.constant 0 : i32
      %scan3A_41 = arith.constant 64 : i32
      %scan3A_42 = arith.addi %scan3A_40, %scan3A_41 : i32
      %scan3A_43 = arith.constant 1 : i32
      scf.for %scan3A_52 = %scan3A_40 to %scan3A_42 step %scan3A_43  : i32 {
        %mul3A_53 = arith.constant 16 : i32
        %mul3A_54 = arith.muli %scan3A_52, %mul3A_53 : i32
        %add3A_55 = arith.addi %multiple_of3A_32, %mul3A_54 : i32
        %add3A_56 = vector.broadcast %add3A_55 : i32 to vector<16xi32>
        %add3A_57 = arith.addi %add3A_56, %iota3A : vector<16xi32>
        %ge3A = vector.broadcast %squeeze3A : i32 to vector<16xi32>
        %ge3A_58 = arith.cmpi sge, %add3A_57, %ge3A : vector<16xi32>
        %lt3A = vector.broadcast %squeeze3A_10 : i32 to vector<16xi32>
        %lt3A_59 = arith.cmpi slt, %add3A_57, %lt3A : vector<16xi32>
        %and3A = arith.andi %ge3A_58, %lt3A_59 : vector<16xi1>
        %broadcast_in_dim3A = arith.constant 0 : i32
        %broadcast_in_dim3A_60 = vector.broadcast %broadcast_in_dim3A : i32 to vector<16xi32>
        %broadcast_in_dim3A_61 = arith.constant 128 : i32
        %broadcast_in_dim3A_62 = vector.broadcast %broadcast_in_dim3A_61 : i32 to vector<16xi32>
        %add3A_63 = arith.addi %broadcast_in_dim3A_60, %broadcast_in_dim3A_62 : vector<16xi32>
        %shift_right_arithmetic3A = arith.constant 1 : i32
        %shift_right_arithmetic3A_64 = vector.broadcast %shift_right_arithmetic3A : i32 to vector<16xi32>
        %shift_right_arithmetic3A_65 = arith.shrsi %add3A_63, %shift_right_arithmetic3A_64 : vector<16xi32>
        %gather3A = tpu.vector_load_idx %arg10[%shift_right_arithmetic3A_65] : memref<136xi32, #tpu.memory_space<vmem>>[vector<16xi32>], vector<16xi32>,
        %le3A = arith.cmpi sle, %gather3A, %add3A_57 : vector<16xi32>
        %select_n3A = arith.select %le3A, %shift_right_arithmetic3A_65, %broadcast_in_dim3A_60 : vector<16xi1>, vector<16xi32>
        %select_n3A_66 = arith.select %le3A, %broadcast_in_dim3A_62, %shift_right_arithmetic3A_65 : vector<16xi1>, vector<16xi32>
        %add3A_67 = arith.addi %select_n3A, %select_n3A_66 : vector<16xi32>
        %shift_right_arithmetic3A_68 = arith.constant 1 : i32
        %shift_right_arithmetic3A_69 = vector.broadcast %shift_right_arithmetic3A_68 : i32 to vector<16xi32>
        %shift_right_arithmetic3A_70 = arith.shrsi %add3A_67, %shift_right_arithmetic3A_69 : vector<16xi32>
        %gather3A_71 = tpu.vector_load_idx %arg10[%shift_right_arithmetic3A_70] : memref<136xi32, #tpu.memory_space<vmem>>[vector<16xi32>], vector<16xi32>,
        %le3A_72 = arith.cmpi sle, %gather3A_71, %add3A_57 : vector<16xi32>
        %select_n3A_73 = arith.select %le3A_72, %shift_right_arithmetic3A_70, %select_n3A : vector<16xi1>, vector<16xi32>
        %select_n3A_74 = arith.select %le3A_72, %select_n3A_66, %shift_right_arithmetic3A_70 : vector<16xi1>, vector<16xi32>
        %add3A_75 = arith.addi %select_n3A_73, %select_n3A_74 : vector<16xi32>
        %shift_right_arithmetic3A_76 = arith.constant 1 : i32
        %shift_right_arithmetic3A_77 = vector.broadcast %shift_right_arithmetic3A_76 : i32 to vector<16xi32>
        %shift_right_arithmetic3A_78 = arith.shrsi %add3A_75, %shift_right_arithmetic3A_77 : vector<16xi32>
        %gather3A_79 = tpu.vector_load_idx %arg10[%shift_right_arithmetic3A_78] : memref<136xi32, #tpu.memory_space<vmem>>[vector<16xi32>], vector<16xi32>,
        %le3A_80 = arith.cmpi sle, %gather3A_79, %add3A_57 : vector<16xi32>
        %select_n3A_81 = arith.select %le3A_80, %shift_right_arithmetic3A_78, %select_n3A_73 : vector<16xi1>, vector<16xi32>
        %select_n3A_82 = arith.select %le3A_80, %select_n3A_74, %shift_right_arithmetic3A_78 : vector<16xi1>, vector<16xi32>
        %add3A_83 = arith.addi %select_n3A_81, %select_n3A_82 : vector<16xi32>
        %shift_right_arithmetic3A_84 = arith.constant 1 : i32
        %shift_right_arithmetic3A_85 = vector.broadcast %shift_right_arithmetic3A_84 : i32 to vector<16xi32>
        %shift_right_arithmetic3A_86 = arith.shrsi %add3A_83, %shift_right_arithmetic3A_85 : vector<16xi32>
        %gather3A_87 = tpu.vector_load_idx %arg10[%shift_right_arithmetic3A_86] : memref<136xi32, #tpu.memory_space<vmem>>[vector<16xi32>], vector<16xi32>,
        %le3A_88 = arith.cmpi sle, %gather3A_87, %add3A_57 : vector<16xi32>
        %select_n3A_89 = arith.select %le3A_88, %shift_right_arithmetic3A_86, %select_n3A_81 : vector<16xi1>, vector<16xi32>
        %select_n3A_90 = arith.select %le3A_88, %select_n3A_82, %shift_right_arithmetic3A_86 : vector<16xi1>, vector<16xi32>
        %add3A_91 = arith.addi %select_n3A_89, %select_n3A_90 : vector<16xi32>
        %shift_right_arithmetic3A_92 = arith.constant 1 : i32
        %shift_right_arithmetic3A_93 = vector.broadcast %shift_right_arithmetic3A_92 : i32 to vector<16xi32>
        %shift_right_arithmetic3A_94 = arith.shrsi %add3A_91, %shift_right_arithmetic3A_93 : vector<16xi32>
        %gather3A_95 = tpu.vector_load_idx %arg10[%shift_right_arithmetic3A_94] : memref<136xi32, #tpu.memory_space<vmem>>[vector<16xi32>], vector<16xi32>,
        %le3A_96 = arith.cmpi sle, %gather3A_95, %add3A_57 : vector<16xi32>
        %select_n3A_97 = arith.select %le3A_96, %shift_right_arithmetic3A_94, %select_n3A_89 : vector<16xi1>, vector<16xi32>
        %select_n3A_98 = arith.select %le3A_96, %select_n3A_90, %shift_right_arithmetic3A_94 : vector<16xi1>, vector<16xi32>
        %add3A_99 = arith.addi %select_n3A_97, %select_n3A_98 : vector<16xi32>
        %shift_right_arithmetic3A_100 = arith.constant 1 : i32
        %shift_right_arithmetic3A_101 = vector.broadcast %shift_right_arithmetic3A_100 : i32 to vector<16xi32>
        %shift_right_arithmetic3A_102 = arith.shrsi %add3A_99, %shift_right_arithmetic3A_101 : vector<16xi32>
        %gather3A_103 = tpu.vector_load_idx %arg10[%shift_right_arithmetic3A_102] : memref<136xi32, #tpu.memory_space<vmem>>[vector<16xi32>], vector<16xi32>,
        %le3A_104 = arith.cmpi sle, %gather3A_103, %add3A_57 : vector<16xi32>
        %select_n3A_105 = arith.select %le3A_104, %shift_right_arithmetic3A_102, %select_n3A_97 : vector<16xi1>, vector<16xi32>
        %select_n3A_106 = arith.select %le3A_104, %select_n3A_98, %shift_right_arithmetic3A_102 : vector<16xi1>, vector<16xi32>
        %add3A_107 = arith.addi %select_n3A_105, %select_n3A_106 : vector<16xi32>
        %shift_right_arithmetic3A_108 = arith.constant 1 : i32
        %shift_right_arithmetic3A_109 = vector.broadcast %shift_right_arithmetic3A_108 : i32 to vector<16xi32>
        %shift_right_arithmetic3A_110 = arith.shrsi %add3A_107, %shift_right_arithmetic3A_109 : vector<16xi32>
        %gather3A_111 = tpu.vector_load_idx %arg10[%shift_right_arithmetic3A_110] : memref<136xi32, #tpu.memory_space<vmem>>[vector<16xi32>], vector<16xi32>,
        %le3A_112 = arith.cmpi sle, %gather3A_111, %add3A_57 : vector<16xi32>
        %select_n3A_113 = arith.select %le3A_112, %shift_right_arithmetic3A_110, %select_n3A_105 : vector<16xi1>, vector<16xi32>
        %select_n3A_114 = arith.select %le3A_112, %select_n3A_106, %shift_right_arithmetic3A_110 : vector<16xi1>, vector<16xi32>
        %jit3A = arith.constant 128 : i32
        %broadcast_in_dim3A_115 = vector.broadcast %jit3A : i32 to vector<16xi32>
        %select_n3A_116 = arith.select %and3A, %select_n3A_113, %broadcast_in_dim3A_115 : vector<16xi1>, vector<16xi32>
        %add3A_117 = vector.broadcast %multiple_of3A_5 : i32 to vector<16xi32>
        %add3A_118 = arith.addi %add3A_117, %select_n3A_116 : vector<16xi32>
        %mul3A_119 = arith.constant 16 : i32
        %mul3A_120 = arith.muli %scan3A_52, %mul3A_119 : i32
        %swap3A = arith.index_cast %mul3A_120 : i32 to index
        %swap3A_121 = tpu.vector_load %arg12[%swap3A] {strides = array<i32>} : memref<1024xi32, #tpu.memory_space<vmem>>, vector<16xi32>,
        tpu.vector_store %arg12[%swap3A], %add3A_118 {strides = array<i32>} : memref<1024xi32, #tpu.memory_space<vmem>>, vector<16xi32>,
      }
      %scan3A_44 = arith.constant 64 : i32
      %dma_wait3A = arith.constant 0 : i32
      %dma_wait3A_45 = tpu.memref_slice %arg4[%dma_wait3A] : memref<1000000xf32, #tpu.memory_space<hbm>> -> memref<1000000xf32, #tpu.memory_space<hbm>>
      tpu.wait_indirect_dma semaphore(%arg21 : memref<!tpu.dma_semaphore, #tpu.memory_space<semaphore_mem>>) src(%dma_wait3A_45 : memref<1000000xf32, #tpu.memory_space<hbm>>) dst(%arg13 : memref<1024xf32, #tpu.memory_space<vmem>>)
      %dma_wait3A_46 = arith.constant 0 : i32
      %dma_wait3A_47 = tpu.memref_slice %arg5[%dma_wait3A_46] : memref<1000000xf32, #tpu.memory_space<hbm>> -> memref<1000000xf32, #tpu.memory_space<hbm>>
      tpu.wait_indirect_dma semaphore(%arg21 : memref<!tpu.dma_semaphore, #tpu.memory_space<semaphore_mem>>) src(%dma_wait3A_47 : memref<1000000xf32, #tpu.memory_space<hbm>>) dst(%arg14 : memref<1024xf32, #tpu.memory_space<vmem>>)
      %dma_wait3A_48 = arith.constant 0 : i32
      %dma_wait3A_49 = tpu.memref_slice %arg6[%dma_wait3A_48] : memref<1000000xf32, #tpu.memory_space<hbm>> -> memref<1000000xf32, #tpu.memory_space<hbm>>
      tpu.wait_indirect_dma semaphore(%arg21 : memref<!tpu.dma_semaphore, #tpu.memory_space<semaphore_mem>>) src(%dma_wait3A_49 : memref<1000000xf32, #tpu.memory_space<hbm>>) dst(%arg15 : memref<1024xf32, #tpu.memory_space<vmem>>)
      %dma_wait3A_50 = arith.constant 0 : i32
      %dma_wait3A_51 = tpu.memref_slice %arg7[%dma_wait3A_50] : memref<1000000xf32, #tpu.memory_space<hbm>> -> memref<1000000xf32, #tpu.memory_space<hbm>>
      tpu.wait_indirect_dma semaphore(%arg21 : memref<!tpu.dma_semaphore, #tpu.memory_space<semaphore_mem>>) src(%dma_wait3A_51 : memref<1000000xf32, #tpu.memory_space<hbm>>) dst(%arg16 : memref<1024xf32, #tpu.memory_space<vmem>>)
      "tpu.region"() ({
        %run_scoped3A_52 = tpu.sem_alloc : memref<!tpu.dma_semaphore, #tpu.memory_space<semaphore_mem>>
        %dma_start3A_53 = arith.constant 0 : i32
        %dma_start3A_54 = tpu.memref_slice %arg17[%dma_start3A_53] : memref<2176xf32, #tpu.memory_space<vmem_shared>> -> memref<2176xf32, #tpu.memory_space<vmem_shared>>
        tpu.enqueue_indirect_dma source(%arg13 : memref<1024xf32, #tpu.memory_space<vmem>>) target(%dma_start3A_54 : memref<2176xf32, #tpu.memory_space<vmem_shared>>) offsets(%arg12 : memref<1024xi32, #tpu.memory_space<vmem>>) semaphore(%run_scoped3A_52 : memref<!tpu.dma_semaphore, #tpu.memory_space<semaphore_mem>>) {add = true}
        %dma_wait3A_55 = arith.constant 0 : i32
        %dma_wait3A_56 = tpu.memref_slice %arg17[%dma_wait3A_55] : memref<2176xf32, #tpu.memory_space<vmem_shared>> -> memref<2176xf32, #tpu.memory_space<vmem_shared>>
        tpu.wait_indirect_dma semaphore(%run_scoped3A_52 : memref<!tpu.dma_semaphore, #tpu.memory_space<semaphore_mem>>) src(%arg13 : memref<1024xf32, #tpu.memory_space<vmem>>) dst(%dma_wait3A_56 : memref<2176xf32, #tpu.memory_space<vmem_shared>>)
        tpu.yield
      }) : () -> ()
      "tpu.region"() ({
        %run_scoped3A_52 = tpu.sem_alloc : memref<!tpu.dma_semaphore, #tpu.memory_space<semaphore_mem>>
        %dma_start3A_53 = arith.constant 0 : i32
        %dma_start3A_54 = tpu.memref_slice %arg18[%dma_start3A_53] : memref<2176xf32, #tpu.memory_space<vmem_shared>> -> memref<2176xf32, #tpu.memory_space<vmem_shared>>
        tpu.enqueue_indirect_dma source(%arg14 : memref<1024xf32, #tpu.memory_space<vmem>>) target(%dma_start3A_54 : memref<2176xf32, #tpu.memory_space<vmem_shared>>) offsets(%arg12 : memref<1024xi32, #tpu.memory_space<vmem>>) semaphore(%run_scoped3A_52 : memref<!tpu.dma_semaphore, #tpu.memory_space<semaphore_mem>>) {add = true}
        %dma_wait3A_55 = arith.constant 0 : i32
        %dma_wait3A_56 = tpu.memref_slice %arg18[%dma_wait3A_55] : memref<2176xf32, #tpu.memory_space<vmem_shared>> -> memref<2176xf32, #tpu.memory_space<vmem_shared>>
        tpu.wait_indirect_dma semaphore(%run_scoped3A_52 : memref<!tpu.dma_semaphore, #tpu.memory_space<semaphore_mem>>) src(%arg14 : memref<1024xf32, #tpu.memory_space<vmem>>) dst(%dma_wait3A_56 : memref<2176xf32, #tpu.memory_space<vmem_shared>>)
        tpu.yield
      }) : () -> ()
      "tpu.region"() ({
        %run_scoped3A_52 = tpu.sem_alloc : memref<!tpu.dma_semaphore, #tpu.memory_space<semaphore_mem>>
        %dma_start3A_53 = arith.constant 0 : i32
        %dma_start3A_54 = tpu.memref_slice %arg19[%dma_start3A_53] : memref<2176xf32, #tpu.memory_space<vmem_shared>> -> memref<2176xf32, #tpu.memory_space<vmem_shared>>
        tpu.enqueue_indirect_dma source(%arg15 : memref<1024xf32, #tpu.memory_space<vmem>>) target(%dma_start3A_54 : memref<2176xf32, #tpu.memory_space<vmem_shared>>) offsets(%arg12 : memref<1024xi32, #tpu.memory_space<vmem>>) semaphore(%run_scoped3A_52 : memref<!tpu.dma_semaphore, #tpu.memory_space<semaphore_mem>>) {add = true}
        %dma_wait3A_55 = arith.constant 0 : i32
        %dma_wait3A_56 = tpu.memref_slice %arg19[%dma_wait3A_55] : memref<2176xf32, #tpu.memory_space<vmem_shared>> -> memref<2176xf32, #tpu.memory_space<vmem_shared>>
        tpu.wait_indirect_dma semaphore(%run_scoped3A_52 : memref<!tpu.dma_semaphore, #tpu.memory_space<semaphore_mem>>) src(%arg15 : memref<1024xf32, #tpu.memory_space<vmem>>) dst(%dma_wait3A_56 : memref<2176xf32, #tpu.memory_space<vmem_shared>>)
        tpu.yield
      }) : () -> ()
      "tpu.region"() ({
        %run_scoped3A_52 = tpu.sem_alloc : memref<!tpu.dma_semaphore, #tpu.memory_space<semaphore_mem>>
        %dma_start3A_53 = arith.constant 0 : i32
        %dma_start3A_54 = tpu.memref_slice %arg20[%dma_start3A_53] : memref<2176xf32, #tpu.memory_space<vmem_shared>> -> memref<2176xf32, #tpu.memory_space<vmem_shared>>
        tpu.enqueue_indirect_dma source(%arg16 : memref<1024xf32, #tpu.memory_space<vmem>>) target(%dma_start3A_54 : memref<2176xf32, #tpu.memory_space<vmem_shared>>) offsets(%arg12 : memref<1024xi32, #tpu.memory_space<vmem>>) semaphore(%run_scoped3A_52 : memref<!tpu.dma_semaphore, #tpu.memory_space<semaphore_mem>>) {add = true}
        %dma_wait3A_55 = arith.constant 0 : i32
        %dma_wait3A_56 = tpu.memref_slice %arg20[%dma_wait3A_55] : memref<2176xf32, #tpu.memory_space<vmem_shared>> -> memref<2176xf32, #tpu.memory_space<vmem_shared>>
        tpu.wait_indirect_dma semaphore(%run_scoped3A_52 : memref<!tpu.dma_semaphore, #tpu.memory_space<semaphore_mem>>) src(%arg16 : memref<1024xf32, #tpu.memory_space<vmem>>) dst(%dma_wait3A_56 : memref<2176xf32, #tpu.memory_space<vmem_shared>>)
        tpu.yield
      }) : () -> ()
    }
    %while3A_24 = arith.constant 1 : i32
    scf.for %while3A_28 = %while3A_22 to %while3A_18 step %while3A_24  : i32 {
      %mul3A_29 = arith.constant 1024 : i32
      %mul3A_30 = arith.muli %while3A_28, %mul3A_29 : i32
      %add3A_31 = arith.addi %sub3A, %mul3A_30 : i32
      %multiple_of3A_32 = tpu.assume_multiple %add3A_31, 8 : i32
      "tpu.region"() ({
        %run_scoped3A_52 = tpu.sem_alloc : memref<!tpu.dma_semaphore, #tpu.memory_space<semaphore_mem>>
        %dma_start3A_53 = tpu.memref_slice %arg2[%multiple_of3A_32] : memref<205832xi32, #tpu.memory_space<hbm>> -> memref<1024xi32, #tpu.memory_space<hbm>>
        %dma_start3A_54 = tpu.memref_slice %arg2[%multiple_of3A_32] : memref<205832xi32, #tpu.memory_space<hbm>> -> memref<1024xi32, #tpu.memory_space<hbm>>
        tpu.enqueue_dma source(%dma_start3A_54 : memref<1024xi32, #tpu.memory_space<hbm>>) target(%arg11 : memref<1024xi32, #tpu.memory_space<vmem>>) target_semaphore(%run_scoped3A_52 : memref<!tpu.dma_semaphore, #tpu.memory_space<semaphore_mem>>)
        %dma_wait3A_55 = tpu.memref_slice %arg2[%multiple_of3A_32] : memref<205832xi32, #tpu.memory_space<hbm>> -> memref<1024xi32, #tpu.memory_space<hbm>>
        %dma_wait3A_56 = tpu.memref_slice %arg2[%multiple_of3A_32] : memref<205832xi32, #tpu.memory_space<hbm>> -> memref<1024xi32, #tpu.memory_space<hbm>>
        tpu.wait_dma2 semaphore(%run_scoped3A_52 : memref<!tpu.dma_semaphore, #tpu.memory_space<semaphore_mem>>) src(%dma_wait3A_56 : memref<1024xi32, #tpu.memory_space<hbm>>) dst(%arg11 : memref<1024xi32, #tpu.memory_space<vmem>>)
        tpu.yield
      }) : () -> ()
      %dma_start3A = arith.constant 0 : i32
      %dma_start3A_33 = tpu.memref_slice %arg4[%dma_start3A] : memref<1000000xf32, #tpu.memory_space<hbm>> -> memref<1000000xf32, #tpu.memory_space<hbm>>
      tpu.enqueue_indirect_dma source(%dma_start3A_33 : memref<1000000xf32, #tpu.memory_space<hbm>>) target(%arg13 : memref<1024xf32, #tpu.memory_space<vmem>>) offsets(%arg11 : memref<1024xi32, #tpu.memory_space<vmem>>) semaphore(%arg21 : memref<!tpu.dma_semaphore, #tpu.memory_space<semaphore_mem>>)
      %dma_start3A_34 = arith.constant 0 : i32
      %dma_start3A_35 = tpu.memref_slice %arg5[%dma_start3A_34] : memref<1000000xf32, #tpu.memory_space<hbm>> -> memref<1000000xf32, #tpu.memory_space<hbm>>
      tpu.enqueue_indirect_dma source(%dma_start3A_35 : memref<1000000xf32, #tpu.memory_space<hbm>>) target(%arg14 : memref<1024xf32, #tpu.memory_space<vmem>>) offsets(%arg11 : memref<1024xi32, #tpu.memory_space<vmem>>) semaphore(%arg21 : memref<!tpu.dma_semaphore, #tpu.memory_space<semaphore_mem>>)
      %dma_start3A_36 = arith.constant 0 : i32
      %dma_start3A_37 = tpu.memref_slice %arg6[%dma_start3A_36] : memref<1000000xf32, #tpu.memory_space<hbm>> -> memref<1000000xf32, #tpu.memory_space<hbm>>
      tpu.enqueue_indirect_dma source(%dma_start3A_37 : memref<1000000xf32, #tpu.memory_space<hbm>>) target(%arg15 : memref<1024xf32, #tpu.memory_space<vmem>>) offsets(%arg11 : memref<1024xi32, #tpu.memory_space<vmem>>) semaphore(%arg21 : memref<!tpu.dma_semaphore, #tpu.memory_space<semaphore_mem>>)
      %dma_start3A_38 = arith.constant 0 : i32
      %dma_start3A_39 = tpu.memref_slice %arg7[%dma_start3A_38] : memref<1000000xf32, #tpu.memory_space<hbm>> -> memref<1000000xf32, #tpu.memory_space<hbm>>
      tpu.enqueue_indirect_dma source(%dma_start3A_39 : memref<1000000xf32, #tpu.memory_space<hbm>>) target(%arg16 : memref<1024xf32, #tpu.memory_space<vmem>>) offsets(%arg11 : memref<1024xi32, #tpu.memory_space<vmem>>) semaphore(%arg21 : memref<!tpu.dma_semaphore, #tpu.memory_space<semaphore_mem>>)
      %scan3A = arith.constant 0 : i32
      %scan3A_40 = arith.constant 0 : i32
      %scan3A_41 = arith.constant 64 : i32
      %scan3A_42 = arith.addi %scan3A_40, %scan3A_41 : i32
      %scan3A_43 = arith.constant 1 : i32
      scf.for %scan3A_52 = %scan3A_40 to %scan3A_42 step %scan3A_43  : i32 {
        %mul3A_53 = arith.constant 16 : i32
        %mul3A_54 = arith.muli %scan3A_52, %mul3A_53 : i32
        %add3A_55 = arith.addi %multiple_of3A_32, %mul3A_54 : i32
        %add3A_56 = vector.broadcast %add3A_55 : i32 to vector<16xi32>
        %add3A_57 = arith.addi %add3A_56, %iota3A : vector<16xi32>
        %ge3A = vector.broadcast %squeeze3A : i32 to vector<16xi32>
        %ge3A_58 = arith.cmpi sge, %add3A_57, %ge3A : vector<16xi32>
        %lt3A = vector.broadcast %squeeze3A_10 : i32 to vector<16xi32>
        %lt3A_59 = arith.cmpi slt, %add3A_57, %lt3A : vector<16xi32>
        %and3A = arith.andi %ge3A_58, %lt3A_59 : vector<16xi1>
        %broadcast_in_dim3A = arith.constant 0 : i32
        %broadcast_in_dim3A_60 = vector.broadcast %broadcast_in_dim3A : i32 to vector<16xi32>
        %broadcast_in_dim3A_61 = arith.constant 128 : i32
        %broadcast_in_dim3A_62 = vector.broadcast %broadcast_in_dim3A_61 : i32 to vector<16xi32>
        %add3A_63 = arith.addi %broadcast_in_dim3A_60, %broadcast_in_dim3A_62 : vector<16xi32>
        %shift_right_arithmetic3A = arith.constant 1 : i32
        %shift_right_arithmetic3A_64 = vector.broadcast %shift_right_arithmetic3A : i32 to vector<16xi32>
        %shift_right_arithmetic3A_65 = arith.shrsi %add3A_63, %shift_right_arithmetic3A_64 : vector<16xi32>
        %gather3A = tpu.vector_load_idx %arg10[%shift_right_arithmetic3A_65] : memref<136xi32, #tpu.memory_space<vmem>>[vector<16xi32>], vector<16xi32>,
        %le3A = arith.cmpi sle, %gather3A, %add3A_57 : vector<16xi32>
        %select_n3A = arith.select %le3A, %shift_right_arithmetic3A_65, %broadcast_in_dim3A_60 : vector<16xi1>, vector<16xi32>
        %select_n3A_66 = arith.select %le3A, %broadcast_in_dim3A_62, %shift_right_arithmetic3A_65 : vector<16xi1>, vector<16xi32>
        %add3A_67 = arith.addi %select_n3A, %select_n3A_66 : vector<16xi32>
        %shift_right_arithmetic3A_68 = arith.constant 1 : i32
        %shift_right_arithmetic3A_69 = vector.broadcast %shift_right_arithmetic3A_68 : i32 to vector<16xi32>
        %shift_right_arithmetic3A_70 = arith.shrsi %add3A_67, %shift_right_arithmetic3A_69 : vector<16xi32>
        %gather3A_71 = tpu.vector_load_idx %arg10[%shift_right_arithmetic3A_70] : memref<136xi32, #tpu.memory_space<vmem>>[vector<16xi32>], vector<16xi32>,
        %le3A_72 = arith.cmpi sle, %gather3A_71, %add3A_57 : vector<16xi32>
        %select_n3A_73 = arith.select %le3A_72, %shift_right_arithmetic3A_70, %select_n3A : vector<16xi1>, vector<16xi32>
        %select_n3A_74 = arith.select %le3A_72, %select_n3A_66, %shift_right_arithmetic3A_70 : vector<16xi1>, vector<16xi32>
        %add3A_75 = arith.addi %select_n3A_73, %select_n3A_74 : vector<16xi32>
        %shift_right_arithmetic3A_76 = arith.constant 1 : i32
        %shift_right_arithmetic3A_77 = vector.broadcast %shift_right_arithmetic3A_76 : i32 to vector<16xi32>
        %shift_right_arithmetic3A_78 = arith.shrsi %add3A_75, %shift_right_arithmetic3A_77 : vector<16xi32>
        %gather3A_79 = tpu.vector_load_idx %arg10[%shift_right_arithmetic3A_78] : memref<136xi32, #tpu.memory_space<vmem>>[vector<16xi32>], vector<16xi32>,
        %le3A_80 = arith.cmpi sle, %gather3A_79, %add3A_57 : vector<16xi32>
        %select_n3A_81 = arith.select %le3A_80, %shift_right_arithmetic3A_78, %select_n3A_73 : vector<16xi1>, vector<16xi32>
        %select_n3A_82 = arith.select %le3A_80, %select_n3A_74, %shift_right_arithmetic3A_78 : vector<16xi1>, vector<16xi32>
        %add3A_83 = arith.addi %select_n3A_81, %select_n3A_82 : vector<16xi32>
        %shift_right_arithmetic3A_84 = arith.constant 1 : i32
        %shift_right_arithmetic3A_85 = vector.broadcast %shift_right_arithmetic3A_84 : i32 to vector<16xi32>
        %shift_right_arithmetic3A_86 = arith.shrsi %add3A_83, %shift_right_arithmetic3A_85 : vector<16xi32>
        %gather3A_87 = tpu.vector_load_idx %arg10[%shift_right_arithmetic3A_86] : memref<136xi32, #tpu.memory_space<vmem>>[vector<16xi32>], vector<16xi32>,
        %le3A_88 = arith.cmpi sle, %gather3A_87, %add3A_57 : vector<16xi32>
        %select_n3A_89 = arith.select %le3A_88, %shift_right_arithmetic3A_86, %select_n3A_81 : vector<16xi1>, vector<16xi32>
        %select_n3A_90 = arith.select %le3A_88, %select_n3A_82, %shift_right_arithmetic3A_86 : vector<16xi1>, vector<16xi32>
        %add3A_91 = arith.addi %select_n3A_89, %select_n3A_90 : vector<16xi32>
        %shift_right_arithmetic3A_92 = arith.constant 1 : i32
        %shift_right_arithmetic3A_93 = vector.broadcast %shift_right_arithmetic3A_92 : i32 to vector<16xi32>
        %shift_right_arithmetic3A_94 = arith.shrsi %add3A_91, %shift_right_arithmetic3A_93 : vector<16xi32>
        %gather3A_95 = tpu.vector_load_idx %arg10[%shift_right_arithmetic3A_94] : memref<136xi32, #tpu.memory_space<vmem>>[vector<16xi32>], vector<16xi32>,
        %le3A_96 = arith.cmpi sle, %gather3A_95, %add3A_57 : vector<16xi32>
        %select_n3A_97 = arith.select %le3A_96, %shift_right_arithmetic3A_94, %select_n3A_89 : vector<16xi1>, vector<16xi32>
        %select_n3A_98 = arith.select %le3A_96, %select_n3A_90, %shift_right_arithmetic3A_94 : vector<16xi1>, vector<16xi32>
        %add3A_99 = arith.addi %select_n3A_97, %select_n3A_98 : vector<16xi32>
        %shift_right_arithmetic3A_100 = arith.constant 1 : i32
        %shift_right_arithmetic3A_101 = vector.broadcast %shift_right_arithmetic3A_100 : i32 to vector<16xi32>
        %shift_right_arithmetic3A_102 = arith.shrsi %add3A_99, %shift_right_arithmetic3A_101 : vector<16xi32>
        %gather3A_103 = tpu.vector_load_idx %arg10[%shift_right_arithmetic3A_102] : memref<136xi32, #tpu.memory_space<vmem>>[vector<16xi32>], vector<16xi32>,
        %le3A_104 = arith.cmpi sle, %gather3A_103, %add3A_57 : vector<16xi32>
        %select_n3A_105 = arith.select %le3A_104, %shift_right_arithmetic3A_102, %select_n3A_97 : vector<16xi1>, vector<16xi32>
        %select_n3A_106 = arith.select %le3A_104, %select_n3A_98, %shift_right_arithmetic3A_102 : vector<16xi1>, vector<16xi32>
        %add3A_107 = arith.addi %select_n3A_105, %select_n3A_106 : vector<16xi32>
        %shift_right_arithmetic3A_108 = arith.constant 1 : i32
        %shift_right_arithmetic3A_109 = vector.broadcast %shift_right_arithmetic3A_108 : i32 to vector<16xi32>
        %shift_right_arithmetic3A_110 = arith.shrsi %add3A_107, %shift_right_arithmetic3A_109 : vector<16xi32>
        %gather3A_111 = tpu.vector_load_idx %arg10[%shift_right_arithmetic3A_110] : memref<136xi32, #tpu.memory_space<vmem>>[vector<16xi32>], vector<16xi32>,
        %le3A_112 = arith.cmpi sle, %gather3A_111, %add3A_57 : vector<16xi32>
        %select_n3A_113 = arith.select %le3A_112, %shift_right_arithmetic3A_110, %select_n3A_105 : vector<16xi1>, vector<16xi32>
        %select_n3A_114 = arith.select %le3A_112, %select_n3A_106, %shift_right_arithmetic3A_110 : vector<16xi1>, vector<16xi32>
        %jit3A = arith.constant 128 : i32
        %broadcast_in_dim3A_115 = vector.broadcast %jit3A : i32 to vector<16xi32>
        %select_n3A_116 = arith.select %and3A, %select_n3A_113, %broadcast_in_dim3A_115 : vector<16xi1>, vector<16xi32>
        %add3A_117 = vector.broadcast %multiple_of3A_5 : i32 to vector<16xi32>
        %add3A_118 = arith.addi %add3A_117, %select_n3A_116 : vector<16xi32>
        %mul3A_119 = arith.constant 16 : i32
        %mul3A_120 = arith.muli %scan3A_52, %mul3A_119 : i32
        %swap3A = arith.index_cast %mul3A_120 : i32 to index
        %swap3A_121 = tpu.vector_load %arg12[%swap3A] {strides = array<i32>} : memref<1024xi32, #tpu.memory_space<vmem>>, vector<16xi32>,
        tpu.vector_store %arg12[%swap3A], %add3A_118 {strides = array<i32>} : memref<1024xi32, #tpu.memory_space<vmem>>, vector<16xi32>,
      }
      %scan3A_44 = arith.constant 64 : i32
      %dma_wait3A = arith.constant 0 : i32
      %dma_wait3A_45 = tpu.memref_slice %arg4[%dma_wait3A] : memref<1000000xf32, #tpu.memory_space<hbm>> -> memref<1000000xf32, #tpu.memory_space<hbm>>
      tpu.wait_indirect_dma semaphore(%arg21 : memref<!tpu.dma_semaphore, #tpu.memory_space<semaphore_mem>>) src(%dma_wait3A_45 : memref<1000000xf32, #tpu.memory_space<hbm>>) dst(%arg13 : memref<1024xf32, #tpu.memory_space<vmem>>)
      %dma_wait3A_46 = arith.constant 0 : i32
      %dma_wait3A_47 = tpu.memref_slice %arg5[%dma_wait3A_46] : memref<1000000xf32, #tpu.memory_space<hbm>> -> memref<1000000xf32, #tpu.memory_space<hbm>>
      tpu.wait_indirect_dma semaphore(%arg21 : memref<!tpu.dma_semaphore, #tpu.memory_space<semaphore_mem>>) src(%dma_wait3A_47 : memref<1000000xf32, #tpu.memory_space<hbm>>) dst(%arg14 : memref<1024xf32, #tpu.memory_space<vmem>>)
      %dma_wait3A_48 = arith.constant 0 : i32
      %dma_wait3A_49 = tpu.memref_slice %arg6[%dma_wait3A_48] : memref<1000000xf32, #tpu.memory_space<hbm>> -> memref<1000000xf32, #tpu.memory_space<hbm>>
      tpu.wait_indirect_dma semaphore(%arg21 : memref<!tpu.dma_semaphore, #tpu.memory_space<semaphore_mem>>) src(%dma_wait3A_49 : memref<1000000xf32, #tpu.memory_space<hbm>>) dst(%arg15 : memref<1024xf32, #tpu.memory_space<vmem>>)
      %dma_wait3A_50 = arith.constant 0 : i32
      %dma_wait3A_51 = tpu.memref_slice %arg7[%dma_wait3A_50] : memref<1000000xf32, #tpu.memory_space<hbm>> -> memref<1000000xf32, #tpu.memory_space<hbm>>
      tpu.wait_indirect_dma semaphore(%arg21 : memref<!tpu.dma_semaphore, #tpu.memory_space<semaphore_mem>>) src(%dma_wait3A_51 : memref<1000000xf32, #tpu.memory_space<hbm>>) dst(%arg16 : memref<1024xf32, #tpu.memory_space<vmem>>)
      "tpu.region"() ({
        %run_scoped3A_52 = tpu.sem_alloc : memref<!tpu.dma_semaphore, #tpu.memory_space<semaphore_mem>>
        %dma_start3A_53 = arith.constant 0 : i32
        %dma_start3A_54 = tpu.memref_slice %arg17[%dma_start3A_53] : memref<2176xf32, #tpu.memory_space<vmem_shared>> -> memref<2176xf32, #tpu.memory_space<vmem_shared>>
        tpu.enqueue_indirect_dma source(%arg13 : memref<1024xf32, #tpu.memory_space<vmem>>) target(%dma_start3A_54 : memref<2176xf32, #tpu.memory_space<vmem_shared>>) offsets(%arg12 : memref<1024xi32, #tpu.memory_space<vmem>>) semaphore(%run_scoped3A_52 : memref<!tpu.dma_semaphore, #tpu.memory_space<semaphore_mem>>) {add = true}
        %dma_wait3A_55 = arith.constant 0 : i32
        %dma_wait3A_56 = tpu.memref_slice %arg17[%dma_wait3A_55] : memref<2176xf32, #tpu.memory_space<vmem_shared>> -> memref<2176xf32, #tpu.memory_space<vmem_shared>>
        tpu.wait_indirect_dma semaphore(%run_scoped3A_52 : memref<!tpu.dma_semaphore, #tpu.memory_space<semaphore_mem>>) src(%arg13 : memref<1024xf32, #tpu.memory_space<vmem>>) dst(%dma_wait3A_56 : memref<2176xf32, #tpu.memory_space<vmem_shared>>)
        tpu.yield
      }) : () -> ()
      "tpu.region"() ({
        %run_scoped3A_52 = tpu.sem_alloc : memref<!tpu.dma_semaphore, #tpu.memory_space<semaphore_mem>>
        %dma_start3A_53 = arith.constant 0 : i32
        %dma_start3A_54 = tpu.memref_slice %arg18[%dma_start3A_53] : memref<2176xf32, #tpu.memory_space<vmem_shared>> -> memref<2176xf32, #tpu.memory_space<vmem_shared>>
        tpu.enqueue_indirect_dma source(%arg14 : memref<1024xf32, #tpu.memory_space<vmem>>) target(%dma_start3A_54 : memref<2176xf32, #tpu.memory_space<vmem_shared>>) offsets(%arg12 : memref<1024xi32, #tpu.memory_space<vmem>>) semaphore(%run_scoped3A_52 : memref<!tpu.dma_semaphore, #tpu.memory_space<semaphore_mem>>) {add = true}
        %dma_wait3A_55 = arith.constant 0 : i32
        %dma_wait3A_56 = tpu.memref_slice %arg18[%dma_wait3A_55] : memref<2176xf32, #tpu.memory_space<vmem_shared>> -> memref<2176xf32, #tpu.memory_space<vmem_shared>>
        tpu.wait_indirect_dma semaphore(%run_scoped3A_52 : memref<!tpu.dma_semaphore, #tpu.memory_space<semaphore_mem>>) src(%arg14 : memref<1024xf32, #tpu.memory_space<vmem>>) dst(%dma_wait3A_56 : memref<2176xf32, #tpu.memory_space<vmem_shared>>)
        tpu.yield
      }) : () -> ()
      "tpu.region"() ({
        %run_scoped3A_52 = tpu.sem_alloc : memref<!tpu.dma_semaphore, #tpu.memory_space<semaphore_mem>>
        %dma_start3A_53 = arith.constant 0 : i32
        %dma_start3A_54 = tpu.memref_slice %arg19[%dma_start3A_53] : memref<2176xf32, #tpu.memory_space<vmem_shared>> -> memref<2176xf32, #tpu.memory_space<vmem_shared>>
        tpu.enqueue_indirect_dma source(%arg15 : memref<1024xf32, #tpu.memory_space<vmem>>) target(%dma_start3A_54 : memref<2176xf32, #tpu.memory_space<vmem_shared>>) offsets(%arg12 : memref<1024xi32, #tpu.memory_space<vmem>>) semaphore(%run_scoped3A_52 : memref<!tpu.dma_semaphore, #tpu.memory_space<semaphore_mem>>) {add = true}
        %dma_wait3A_55 = arith.constant 0 : i32
        %dma_wait3A_56 = tpu.memref_slice %arg19[%dma_wait3A_55] : memref<2176xf32, #tpu.memory_space<vmem_shared>> -> memref<2176xf32, #tpu.memory_space<vmem_shared>>
        tpu.wait_indirect_dma semaphore(%run_scoped3A_52 : memref<!tpu.dma_semaphore, #tpu.memory_space<semaphore_mem>>) src(%arg15 : memref<1024xf32, #tpu.memory_space<vmem>>) dst(%dma_wait3A_56 : memref<2176xf32, #tpu.memory_space<vmem_shared>>)
        tpu.yield
      }) : () -> ()
      "tpu.region"() ({
        %run_scoped3A_52 = tpu.sem_alloc : memref<!tpu.dma_semaphore, #tpu.memory_space<semaphore_mem>>
        %dma_start3A_53 = arith.constant 0 : i32
        %dma_start3A_54 = tpu.memref_slice %arg20[%dma_start3A_53] : memref<2176xf32, #tpu.memory_space<vmem_shared>> -> memref<2176xf32, #tpu.memory_space<vmem_shared>>
        tpu.enqueue_indirect_dma source(%arg16 : memref<1024xf32, #tpu.memory_space<vmem>>) target(%dma_start3A_54 : memref<2176xf32, #tpu.memory_space<vmem_shared>>) offsets(%arg12 : memref<1024xi32, #tpu.memory_space<vmem>>) semaphore(%run_scoped3A_52 : memref<!tpu.dma_semaphore, #tpu.memory_space<semaphore_mem>>) {add = true}
        %dma_wait3A_55 = arith.constant 0 : i32
        %dma_wait3A_56 = tpu.memref_slice %arg20[%dma_wait3A_55] : memref<2176xf32, #tpu.memory_space<vmem_shared>> -> memref<2176xf32, #tpu.memory_space<vmem_shared>>
        tpu.wait_indirect_dma semaphore(%run_scoped3A_52 : memref<!tpu.dma_semaphore, #tpu.memory_space<semaphore_mem>>) src(%arg16 : memref<1024xf32, #tpu.memory_space<vmem>>) dst(%dma_wait3A_56 : memref<2176xf32, #tpu.memory_space<vmem_shared>>)
        tpu.yield
      }) : () -> ()
    }
    "tpu.region"() ({
      %run_scoped3A_28 = tpu.sem_alloc : memref<!tpu.dma_semaphore, #tpu.memory_space<semaphore_mem>>
      %dma_start3A = arith.constant 0 : i32
      %dma_start3A_29 = tpu.memref_slice %arg13[%dma_start3A] : memref<1024xf32, #tpu.memory_space<vmem>> -> memref<128xf32, #tpu.memory_space<vmem>>
      %dma_start3A_30 = tpu.memref_slice %arg17[%multiple_of3A_5] : memref<2176xf32, #tpu.memory_space<vmem_shared>> -> memref<128xf32, #tpu.memory_space<vmem_shared>>
      %dma_start3A_31 = arith.constant 0 : i32
      %dma_start3A_32 = tpu.memref_slice %arg13[%dma_start3A_31] : memref<1024xf32, #tpu.memory_space<vmem>> -> memref<128xf32, #tpu.memory_space<vmem>>
      %dma_start3A_33 = tpu.memref_slice %arg17[%multiple_of3A_5] : memref<2176xf32, #tpu.memory_space<vmem_shared>> -> memref<128xf32, #tpu.memory_space<vmem_shared>>
      tpu.enqueue_dma source(%dma_start3A_33 : memref<128xf32, #tpu.memory_space<vmem_shared>>) target(%dma_start3A_32 : memref<128xf32, #tpu.memory_space<vmem>>) target_semaphore(%run_scoped3A_28 : memref<!tpu.dma_semaphore, #tpu.memory_space<semaphore_mem>>)
      %dma_wait3A = arith.constant 0 : i32
      %dma_wait3A_34 = tpu.memref_slice %arg13[%dma_wait3A] : memref<1024xf32, #tpu.memory_space<vmem>> -> memref<128xf32, #tpu.memory_space<vmem>>
      %dma_wait3A_35 = tpu.memref_slice %arg17[%multiple_of3A_5] : memref<2176xf32, #tpu.memory_space<vmem_shared>> -> memref<128xf32, #tpu.memory_space<vmem_shared>>
      %dma_wait3A_36 = arith.constant 0 : i32
      %dma_wait3A_37 = tpu.memref_slice %arg13[%dma_wait3A_36] : memref<1024xf32, #tpu.memory_space<vmem>> -> memref<128xf32, #tpu.memory_space<vmem>>
      %dma_wait3A_38 = tpu.memref_slice %arg17[%multiple_of3A_5] : memref<2176xf32, #tpu.memory_space<vmem_shared>> -> memref<128xf32, #tpu.memory_space<vmem_shared>>
      tpu.wait_dma2 semaphore(%run_scoped3A_28 : memref<!tpu.dma_semaphore, #tpu.memory_space<semaphore_mem>>) src(%dma_wait3A_38 : memref<128xf32, #tpu.memory_space<vmem_shared>>) dst(%dma_wait3A_37 : memref<128xf32, #tpu.memory_space<vmem>>)
      tpu.yield
    }) : () -> ()
    %run_scoped3A = arith.constant 0 : i32
    "tpu.region"() ({
      %run_scoped3A_28 = tpu.sem_alloc : memref<!tpu.dma_semaphore, #tpu.memory_space<semaphore_mem>>
      %dma_start3A = arith.constant 0 : i32
      %dma_start3A_29 = tpu.memref_slice %arg13[%dma_start3A] : memref<1024xf32, #tpu.memory_space<vmem>> -> memref<128xf32, #tpu.memory_space<vmem>>
      %dma_start3A_30 = tpu.memref_slice %arg9[%run_scoped3A, %multiple_of3A] : memref<4x4096xf32, #tpu.memory_space<hbm>> -> memref<1x128xf32, #tpu.memory_space<hbm>>
      %dma_start3A_31 = tpu.memref_squeeze %dma_start3A_30 : memref<1x128xf32, #tpu.memory_space<hbm>> -> memref<128xf32, #tpu.memory_space<hbm>>
      %dma_start3A_32 = tpu.memref_slice %arg9[%run_scoped3A, %multiple_of3A] : memref<4x4096xf32, #tpu.memory_space<hbm>> -> memref<1x128xf32, #tpu.memory_space<hbm>>
      %dma_start3A_33 = tpu.memref_squeeze %dma_start3A_32 : memref<1x128xf32, #tpu.memory_space<hbm>> -> memref<128xf32, #tpu.memory_space<hbm>>
      %dma_start3A_34 = arith.constant 0 : i32
      %dma_start3A_35 = tpu.memref_slice %arg13[%dma_start3A_34] : memref<1024xf32, #tpu.memory_space<vmem>> -> memref<128xf32, #tpu.memory_space<vmem>>
      tpu.enqueue_dma source(%dma_start3A_35 : memref<128xf32, #tpu.memory_space<vmem>>) target(%dma_start3A_33 : memref<128xf32, #tpu.memory_space<hbm>>) target_semaphore(%run_scoped3A_28 : memref<!tpu.dma_semaphore, #tpu.memory_space<semaphore_mem>>)
      %dma_wait3A = arith.constant 0 : i32
      %dma_wait3A_36 = tpu.memref_slice %arg13[%dma_wait3A] : memref<1024xf32, #tpu.memory_space<vmem>> -> memref<128xf32, #tpu.memory_space<vmem>>
      %dma_wait3A_37 = tpu.memref_slice %arg9[%run_scoped3A, %multiple_of3A] : memref<4x4096xf32, #tpu.memory_space<hbm>> -> memref<1x128xf32, #tpu.memory_space<hbm>>
      %dma_wait3A_38 = tpu.memref_squeeze %dma_wait3A_37 : memref<1x128xf32, #tpu.memory_space<hbm>> -> memref<128xf32, #tpu.memory_space<hbm>>
      %dma_wait3A_39 = tpu.memref_slice %arg9[%run_scoped3A, %multiple_of3A] : memref<4x4096xf32, #tpu.memory_space<hbm>> -> memref<1x128xf32, #tpu.memory_space<hbm>>
      %dma_wait3A_40 = tpu.memref_squeeze %dma_wait3A_39 : memref<1x128xf32, #tpu.memory_space<hbm>> -> memref<128xf32, #tpu.memory_space<hbm>>
      %dma_wait3A_41 = arith.constant 0 : i32
      %dma_wait3A_42 = tpu.memref_slice %arg13[%dma_wait3A_41] : memref<1024xf32, #tpu.memory_space<vmem>> -> memref<128xf32, #tpu.memory_space<vmem>>
      tpu.wait_dma2 semaphore(%run_scoped3A_28 : memref<!tpu.dma_semaphore, #tpu.memory_space<semaphore_mem>>) src(%dma_wait3A_42 : memref<128xf32, #tpu.memory_space<vmem>>) dst(%dma_wait3A_40 : memref<128xf32, #tpu.memory_space<hbm>>)
      tpu.yield
    }) : () -> ()
    "tpu.region"() ({
      %run_scoped3A_28 = tpu.sem_alloc : memref<!tpu.dma_semaphore, #tpu.memory_space<semaphore_mem>>
      %dma_start3A = arith.constant 0 : i32
      %dma_start3A_29 = tpu.memref_slice %arg14[%dma_start3A] : memref<1024xf32, #tpu.memory_space<vmem>> -> memref<128xf32, #tpu.memory_space<vmem>>
      %dma_start3A_30 = tpu.memref_slice %arg18[%multiple_of3A_5] : memref<2176xf32, #tpu.memory_space<vmem_shared>> -> memref<128xf32, #tpu.memory_space<vmem_shared>>
      %dma_start3A_31 = arith.constant 0 : i32
      %dma_start3A_32 = tpu.memref_slice %arg14[%dma_start3A_31] : memref<1024xf32, #tpu.memory_space<vmem>> -> memref<128xf32, #tpu.memory_space<vmem>>
      %dma_start3A_33 = tpu.memref_slice %arg18[%multiple_of3A_5] : memref<2176xf32, #tpu.memory_space<vmem_shared>> -> memref<128xf32, #tpu.memory_space<vmem_shared>>
      tpu.enqueue_dma source(%dma_start3A_33 : memref<128xf32, #tpu.memory_space<vmem_shared>>) target(%dma_start3A_32 : memref<128xf32, #tpu.memory_space<vmem>>) target_semaphore(%run_scoped3A_28 : memref<!tpu.dma_semaphore, #tpu.memory_space<semaphore_mem>>)
      %dma_wait3A = arith.constant 0 : i32
      %dma_wait3A_34 = tpu.memref_slice %arg14[%dma_wait3A] : memref<1024xf32, #tpu.memory_space<vmem>> -> memref<128xf32, #tpu.memory_space<vmem>>
      %dma_wait3A_35 = tpu.memref_slice %arg18[%multiple_of3A_5] : memref<2176xf32, #tpu.memory_space<vmem_shared>> -> memref<128xf32, #tpu.memory_space<vmem_shared>>
      %dma_wait3A_36 = arith.constant 0 : i32
      %dma_wait3A_37 = tpu.memref_slice %arg14[%dma_wait3A_36] : memref<1024xf32, #tpu.memory_space<vmem>> -> memref<128xf32, #tpu.memory_space<vmem>>
      %dma_wait3A_38 = tpu.memref_slice %arg18[%multiple_of3A_5] : memref<2176xf32, #tpu.memory_space<vmem_shared>> -> memref<128xf32, #tpu.memory_space<vmem_shared>>
      tpu.wait_dma2 semaphore(%run_scoped3A_28 : memref<!tpu.dma_semaphore, #tpu.memory_space<semaphore_mem>>) src(%dma_wait3A_38 : memref<128xf32, #tpu.memory_space<vmem_shared>>) dst(%dma_wait3A_37 : memref<128xf32, #tpu.memory_space<vmem>>)
      tpu.yield
    }) : () -> ()
    %run_scoped3A_25 = arith.constant 1 : i32
    "tpu.region"() ({
      %run_scoped3A_28 = tpu.sem_alloc : memref<!tpu.dma_semaphore, #tpu.memory_space<semaphore_mem>>
      %dma_start3A = arith.constant 0 : i32
      %dma_start3A_29 = tpu.memref_slice %arg14[%dma_start3A] : memref<1024xf32, #tpu.memory_space<vmem>> -> memref<128xf32, #tpu.memory_space<vmem>>
      %dma_start3A_30 = tpu.memref_slice %arg9[%run_scoped3A_25, %multiple_of3A] : memref<4x4096xf32, #tpu.memory_space<hbm>> -> memref<1x128xf32, #tpu.memory_space<hbm>>
      %dma_start3A_31 = tpu.memref_squeeze %dma_start3A_30 : memref<1x128xf32, #tpu.memory_space<hbm>> -> memref<128xf32, #tpu.memory_space<hbm>>
      %dma_start3A_32 = tpu.memref_slice %arg9[%run_scoped3A_25, %multiple_of3A] : memref<4x4096xf32, #tpu.memory_space<hbm>> -> memref<1x128xf32, #tpu.memory_space<hbm>>
      %dma_start3A_33 = tpu.memref_squeeze %dma_start3A_32 : memref<1x128xf32, #tpu.memory_space<hbm>> -> memref<128xf32, #tpu.memory_space<hbm>>
      %dma_start3A_34 = arith.constant 0 : i32
      %dma_start3A_35 = tpu.memref_slice %arg14[%dma_start3A_34] : memref<1024xf32, #tpu.memory_space<vmem>> -> memref<128xf32, #tpu.memory_space<vmem>>
      tpu.enqueue_dma source(%dma_start3A_35 : memref<128xf32, #tpu.memory_space<vmem>>) target(%dma_start3A_33 : memref<128xf32, #tpu.memory_space<hbm>>) target_semaphore(%run_scoped3A_28 : memref<!tpu.dma_semaphore, #tpu.memory_space<semaphore_mem>>)
      %dma_wait3A = arith.constant 0 : i32
      %dma_wait3A_36 = tpu.memref_slice %arg14[%dma_wait3A] : memref<1024xf32, #tpu.memory_space<vmem>> -> memref<128xf32, #tpu.memory_space<vmem>>
      %dma_wait3A_37 = tpu.memref_slice %arg9[%run_scoped3A_25, %multiple_of3A] : memref<4x4096xf32, #tpu.memory_space<hbm>> -> memref<1x128xf32, #tpu.memory_space<hbm>>
      %dma_wait3A_38 = tpu.memref_squeeze %dma_wait3A_37 : memref<1x128xf32, #tpu.memory_space<hbm>> -> memref<128xf32, #tpu.memory_space<hbm>>
      %dma_wait3A_39 = tpu.memref_slice %arg9[%run_scoped3A_25, %multiple_of3A] : memref<4x4096xf32, #tpu.memory_space<hbm>> -> memref<1x128xf32, #tpu.memory_space<hbm>>
      %dma_wait3A_40 = tpu.memref_squeeze %dma_wait3A_39 : memref<1x128xf32, #tpu.memory_space<hbm>> -> memref<128xf32, #tpu.memory_space<hbm>>
      %dma_wait3A_41 = arith.constant 0 : i32
      %dma_wait3A_42 = tpu.memref_slice %arg14[%dma_wait3A_41] : memref<1024xf32, #tpu.memory_space<vmem>> -> memref<128xf32, #tpu.memory_space<vmem>>
      tpu.wait_dma2 semaphore(%run_scoped3A_28 : memref<!tpu.dma_semaphore, #tpu.memory_space<semaphore_mem>>) src(%dma_wait3A_42 : memref<128xf32, #tpu.memory_space<vmem>>) dst(%dma_wait3A_40 : memref<128xf32, #tpu.memory_space<hbm>>)
      tpu.yield
    }) : () -> ()
    "tpu.region"() ({
      %run_scoped3A_28 = tpu.sem_alloc : memref<!tpu.dma_semaphore, #tpu.memory_space<semaphore_mem>>
      %dma_start3A = arith.constant 0 : i32
      %dma_start3A_29 = tpu.memref_slice %arg15[%dma_start3A] : memref<1024xf32, #tpu.memory_space<vmem>> -> memref<128xf32, #tpu.memory_space<vmem>>
      %dma_start3A_30 = tpu.memref_slice %arg19[%multiple_of3A_5] : memref<2176xf32, #tpu.memory_space<vmem_shared>> -> memref<128xf32, #tpu.memory_space<vmem_shared>>
      %dma_start3A_31 = arith.constant 0 : i32
      %dma_start3A_32 = tpu.memref_slice %arg15[%dma_start3A_31] : memref<1024xf32, #tpu.memory_space<vmem>> -> memref<128xf32, #tpu.memory_space<vmem>>
      %dma_start3A_33 = tpu.memref_slice %arg19[%multiple_of3A_5] : memref<2176xf32, #tpu.memory_space<vmem_shared>> -> memref<128xf32, #tpu.memory_space<vmem_shared>>
      tpu.enqueue_dma source(%dma_start3A_33 : memref<128xf32, #tpu.memory_space<vmem_shared>>) target(%dma_start3A_32 : memref<128xf32, #tpu.memory_space<vmem>>) target_semaphore(%run_scoped3A_28 : memref<!tpu.dma_semaphore, #tpu.memory_space<semaphore_mem>>)
      %dma_wait3A = arith.constant 0 : i32
      %dma_wait3A_34 = tpu.memref_slice %arg15[%dma_wait3A] : memref<1024xf32, #tpu.memory_space<vmem>> -> memref<128xf32, #tpu.memory_space<vmem>>
      %dma_wait3A_35 = tpu.memref_slice %arg19[%multiple_of3A_5] : memref<2176xf32, #tpu.memory_space<vmem_shared>> -> memref<128xf32, #tpu.memory_space<vmem_shared>>
      %dma_wait3A_36 = arith.constant 0 : i32
      %dma_wait3A_37 = tpu.memref_slice %arg15[%dma_wait3A_36] : memref<1024xf32, #tpu.memory_space<vmem>> -> memref<128xf32, #tpu.memory_space<vmem>>
      %dma_wait3A_38 = tpu.memref_slice %arg19[%multiple_of3A_5] : memref<2176xf32, #tpu.memory_space<vmem_shared>> -> memref<128xf32, #tpu.memory_space<vmem_shared>>
      tpu.wait_dma2 semaphore(%run_scoped3A_28 : memref<!tpu.dma_semaphore, #tpu.memory_space<semaphore_mem>>) src(%dma_wait3A_38 : memref<128xf32, #tpu.memory_space<vmem_shared>>) dst(%dma_wait3A_37 : memref<128xf32, #tpu.memory_space<vmem>>)
      tpu.yield
    }) : () -> ()
    %run_scoped3A_26 = arith.constant 2 : i32
    "tpu.region"() ({
      %run_scoped3A_28 = tpu.sem_alloc : memref<!tpu.dma_semaphore, #tpu.memory_space<semaphore_mem>>
      %dma_start3A = arith.constant 0 : i32
      %dma_start3A_29 = tpu.memref_slice %arg15[%dma_start3A] : memref<1024xf32, #tpu.memory_space<vmem>> -> memref<128xf32, #tpu.memory_space<vmem>>
      %dma_start3A_30 = tpu.memref_slice %arg9[%run_scoped3A_26, %multiple_of3A] : memref<4x4096xf32, #tpu.memory_space<hbm>> -> memref<1x128xf32, #tpu.memory_space<hbm>>
      %dma_start3A_31 = tpu.memref_squeeze %dma_start3A_30 : memref<1x128xf32, #tpu.memory_space<hbm>> -> memref<128xf32, #tpu.memory_space<hbm>>
      %dma_start3A_32 = tpu.memref_slice %arg9[%run_scoped3A_26, %multiple_of3A] : memref<4x4096xf32, #tpu.memory_space<hbm>> -> memref<1x128xf32, #tpu.memory_space<hbm>>
      %dma_start3A_33 = tpu.memref_squeeze %dma_start3A_32 : memref<1x128xf32, #tpu.memory_space<hbm>> -> memref<128xf32, #tpu.memory_space<hbm>>
      %dma_start3A_34 = arith.constant 0 : i32
      %dma_start3A_35 = tpu.memref_slice %arg15[%dma_start3A_34] : memref<1024xf32, #tpu.memory_space<vmem>> -> memref<128xf32, #tpu.memory_space<vmem>>
      tpu.enqueue_dma source(%dma_start3A_35 : memref<128xf32, #tpu.memory_space<vmem>>) target(%dma_start3A_33 : memref<128xf32, #tpu.memory_space<hbm>>) target_semaphore(%run_scoped3A_28 : memref<!tpu.dma_semaphore, #tpu.memory_space<semaphore_mem>>)
      %dma_wait3A = arith.constant 0 : i32
      %dma_wait3A_36 = tpu.memref_slice %arg15[%dma_wait3A] : memref<1024xf32, #tpu.memory_space<vmem>> -> memref<128xf32, #tpu.memory_space<vmem>>
      %dma_wait3A_37 = tpu.memref_slice %arg9[%run_scoped3A_26, %multiple_of3A] : memref<4x4096xf32, #tpu.memory_space<hbm>> -> memref<1x128xf32, #tpu.memory_space<hbm>>
      %dma_wait3A_38 = tpu.memref_squeeze %dma_wait3A_37 : memref<1x128xf32, #tpu.memory_space<hbm>> -> memref<128xf32, #tpu.memory_space<hbm>>
      %dma_wait3A_39 = tpu.memref_slice %arg9[%run_scoped3A_26, %multiple_of3A] : memref<4x4096xf32, #tpu.memory_space<hbm>> -> memref<1x128xf32, #tpu.memory_space<hbm>>
      %dma_wait3A_40 = tpu.memref_squeeze %dma_wait3A_39 : memref<1x128xf32, #tpu.memory_space<hbm>> -> memref<128xf32, #tpu.memory_space<hbm>>
      %dma_wait3A_41 = arith.constant 0 : i32
      %dma_wait3A_42 = tpu.memref_slice %arg15[%dma_wait3A_41] : memref<1024xf32, #tpu.memory_space<vmem>> -> memref<128xf32, #tpu.memory_space<vmem>>
      tpu.wait_dma2 semaphore(%run_scoped3A_28 : memref<!tpu.dma_semaphore, #tpu.memory_space<semaphore_mem>>) src(%dma_wait3A_42 : memref<128xf32, #tpu.memory_space<vmem>>) dst(%dma_wait3A_40 : memref<128xf32, #tpu.memory_space<hbm>>)
      tpu.yield
    }) : () -> ()
    "tpu.region"() ({
      %run_scoped3A_28 = tpu.sem_alloc : memref<!tpu.dma_semaphore, #tpu.memory_space<semaphore_mem>>
      %dma_start3A = arith.constant 0 : i32
      %dma_start3A_29 = tpu.memref_slice %arg16[%dma_start3A] : memref<1024xf32, #tpu.memory_space<vmem>> -> memref<128xf32, #tpu.memory_space<vmem>>
      %dma_start3A_30 = tpu.memref_slice %arg20[%multiple_of3A_5] : memref<2176xf32, #tpu.memory_space<vmem_shared>> -> memref<128xf32, #tpu.memory_space<vmem_shared>>
      %dma_start3A_31 = arith.constant 0 : i32
      %dma_start3A_32 = tpu.memref_slice %arg16[%dma_start3A_31] : memref<1024xf32, #tpu.memory_space<vmem>> -> memref<128xf32, #tpu.memory_space<vmem>>
      %dma_start3A_33 = tpu.memref_slice %arg20[%multiple_of3A_5] : memref<2176xf32, #tpu.memory_space<vmem_shared>> -> memref<128xf32, #tpu.memory_space<vmem_shared>>
      tpu.enqueue_dma source(%dma_start3A_33 : memref<128xf32, #tpu.memory_space<vmem_shared>>) target(%dma_start3A_32 : memref<128xf32, #tpu.memory_space<vmem>>) target_semaphore(%run_scoped3A_28 : memref<!tpu.dma_semaphore, #tpu.memory_space<semaphore_mem>>)
      %dma_wait3A = arith.constant 0 : i32
      %dma_wait3A_34 = tpu.memref_slice %arg16[%dma_wait3A] : memref<1024xf32, #tpu.memory_space<vmem>> -> memref<128xf32, #tpu.memory_space<vmem>>
      %dma_wait3A_35 = tpu.memref_slice %arg20[%multiple_of3A_5] : memref<2176xf32, #tpu.memory_space<vmem_shared>> -> memref<128xf32, #tpu.memory_space<vmem_shared>>
      %dma_wait3A_36 = arith.constant 0 : i32
      %dma_wait3A_37 = tpu.memref_slice %arg16[%dma_wait3A_36] : memref<1024xf32, #tpu.memory_space<vmem>> -> memref<128xf32, #tpu.memory_space<vmem>>
      %dma_wait3A_38 = tpu.memref_slice %arg20[%multiple_of3A_5] : memref<2176xf32, #tpu.memory_space<vmem_shared>> -> memref<128xf32, #tpu.memory_space<vmem_shared>>
      tpu.wait_dma2 semaphore(%run_scoped3A_28 : memref<!tpu.dma_semaphore, #tpu.memory_space<semaphore_mem>>) src(%dma_wait3A_38 : memref<128xf32, #tpu.memory_space<vmem_shared>>) dst(%dma_wait3A_37 : memref<128xf32, #tpu.memory_space<vmem>>)
      tpu.yield
    }) : () -> ()
    %run_scoped3A_27 = arith.constant 3 : i32
    "tpu.region"() ({
      %run_scoped3A_28 = tpu.sem_alloc : memref<!tpu.dma_semaphore, #tpu.memory_space<semaphore_mem>>
      %dma_start3A = arith.constant 0 : i32
      %dma_start3A_29 = tpu.memref_slice %arg16[%dma_start3A] : memref<1024xf32, #tpu.memory_space<vmem>> -> memref<128xf32, #tpu.memory_space<vmem>>
      %dma_start3A_30 = tpu.memref_slice %arg9[%run_scoped3A_27, %multiple_of3A] : memref<4x4096xf32, #tpu.memory_space<hbm>> -> memref<1x128xf32, #tpu.memory_space<hbm>>
      %dma_start3A_31 = tpu.memref_squeeze %dma_start3A_30 : memref<1x128xf32, #tpu.memory_space<hbm>> -> memref<128xf32, #tpu.memory_space<hbm>>
      %dma_start3A_32 = tpu.memref_slice %arg9[%run_scoped3A_27, %multiple_of3A] : memref<4x4096xf32, #tpu.memory_space<hbm>> -> memref<1x128xf32, #tpu.memory_space<hbm>>
      %dma_start3A_33 = tpu.memref_squeeze %dma_start3A_32 : memref<1x128xf32, #tpu.memory_space<hbm>> -> memref<128xf32, #tpu.memory_space<hbm>>
      %dma_start3A_34 = arith.constant 0 : i32
      %dma_start3A_35 = tpu.memref_slice %arg16[%dma_start3A_34] : memref<1024xf32, #tpu.memory_space<vmem>> -> memref<128xf32, #tpu.memory_space<vmem>>
      tpu.enqueue_dma source(%dma_start3A_35 : memref<128xf32, #tpu.memory_space<vmem>>) target(%dma_start3A_33 : memref<128xf32, #tpu.memory_space<hbm>>) target_semaphore(%run_scoped3A_28 : memref<!tpu.dma_semaphore, #tpu.memory_space<semaphore_mem>>)
      %dma_wait3A = arith.constant 0 : i32
      %dma_wait3A_36 = tpu.memref_slice %arg16[%dma_wait3A] : memref<1024xf32, #tpu.memory_space<vmem>> -> memref<128xf32, #tpu.memory_space<vmem>>
      %dma_wait3A_37 = tpu.memref_slice %arg9[%run_scoped3A_27, %multiple_of3A] : memref<4x4096xf32, #tpu.memory_space<hbm>> -> memref<1x128xf32, #tpu.memory_space<hbm>>
      %dma_wait3A_38 = tpu.memref_squeeze %dma_wait3A_37 : memref<1x128xf32, #tpu.memory_space<hbm>> -> memref<128xf32, #tpu.memory_space<hbm>>
      %dma_wait3A_39 = tpu.memref_slice %arg9[%run_scoped3A_27, %multiple_of3A] : memref<4x4096xf32, #tpu.memory_space<hbm>> -> memref<1x128xf32, #tpu.memory_space<hbm>>
      %dma_wait3A_40 = tpu.memref_squeeze %dma_wait3A_39 : memref<1x128xf32, #tpu.memory_space<hbm>> -> memref<128xf32, #tpu.memory_space<hbm>>
      %dma_wait3A_41 = arith.constant 0 : i32
      %dma_wait3A_42 = tpu.memref_slice %arg16[%dma_wait3A_41] : memref<1024xf32, #tpu.memory_space<vmem>> -> memref<128xf32, #tpu.memory_space<vmem>>
      tpu.wait_dma2 semaphore(%run_scoped3A_28 : memref<!tpu.dma_semaphore, #tpu.memory_space<semaphore_mem>>) src(%dma_wait3A_42 : memref<128xf32, #tpu.memory_space<vmem>>) dst(%dma_wait3A_40 : memref<128xf32, #tpu.memory_space<hbm>>)
      tpu.yield
    }) : () -> ()
    return
  }
}

module attributes {stable_mosaic.version = 14 : i64} {
  func.func @body(%arg0: i32, %arg1: memref<4x64xf32, #tpu.memory_space<vmem>>, %arg2: memref<64x16384xf32, #tpu.memory_space<vmem>>, %arg3: memref<16384xf32, #tpu.memory_space<vmem>>, %arg4: memref<16384xf32, #tpu.memory_space<vmem>>, %arg5: memref<16384xf32, #tpu.memory_space<vmem>>, %arg6: memref<16384xf32, #tpu.memory_space<vmem>>) attributes {dimension_semantics = [#tpu.dimension_semantics<arbitrary>], iteration_bounds = array<i64: 62>, scalar_prefetch = 0 : i64, scratch_operands = 0 : i64, tpu.core_type = #tpu.core_type<tc>, window_params = [{pipeline_mode = #tpu.pipeline_mode<synchronous>, transform_indices = @transform_0, window_bounds = array<i64: 4, 64>}, {transform_indices = @transform_1, window_bounds = array<i64: 64, 16384>}, {transform_indices = @transform_2, window_bounds = array<i64: 16384>}, {transform_indices = @transform_3, window_bounds = array<i64: 16384>}, {transform_indices = @transform_4, window_bounds = array<i64: 16384>}, {transform_indices = @transform_5, window_bounds = array<i64: 16384>}]} {
    %get3A = arith.constant 0 : index
    %get3A_0 = arith.constant 0 : index
    %get3A_1 = vector.load %arg1[%get3A, %get3A_0] : memref<4x64xf32, #tpu.memory_space<vmem>>, vector<4x64xf32>
    %get3A_2 = arith.constant 0 : index
    %get3A_3 = arith.constant 0 : index
    %get3A_4 = vector.load %arg2[%get3A_2, %get3A_3] : memref<64x16384xf32, #tpu.memory_space<vmem>>, vector<64x16384xf32>
    %dot_general3A = arith.constant dense<0.000000e+00> : vector<4x16384xf32>
    %dot_general3A_5 = tpu.matmul %get3A_1, %get3A_4, %dot_general3A {dimension_numbers = #tpu.dot_dimension_numbers<[1], [0], [0], [1], [0, 0, 1, 1], [], []>, transpose_lhs_hint = false} : vector<4x64xf32>, vector<64x16384xf32>, vector<4x16384xf32> -> vector<4x16384xf32>
    %slice3A = vector.extract_strided_slice %dot_general3A_5 {offsets = [0, 0], sizes = [1, 16384], strides = [1, 1]} : vector<4x16384xf32> to vector<1x16384xf32>
    %squeeze3A = vector.shape_cast %slice3A : vector<1x16384xf32> to vector<16384xf32>
    %swap3A = arith.constant 0 : index
    %swap3A_6 = vector.load %arg3[%swap3A] : memref<16384xf32, #tpu.memory_space<vmem>>, vector<16384xf32>
    tpu.vector_store %arg3[%swap3A], %squeeze3A {strides = array<i32>} : memref<16384xf32, #tpu.memory_space<vmem>>, vector<16384xf32>,
    %slice3A_7 = vector.extract_strided_slice %dot_general3A_5 {offsets = [1, 0], sizes = [1, 16384], strides = [1, 1]} : vector<4x16384xf32> to vector<1x16384xf32>
    %squeeze3A_8 = vector.shape_cast %slice3A_7 : vector<1x16384xf32> to vector<16384xf32>
    %swap3A_9 = arith.constant 0 : index
    %swap3A_10 = vector.load %arg4[%swap3A_9] : memref<16384xf32, #tpu.memory_space<vmem>>, vector<16384xf32>
    tpu.vector_store %arg4[%swap3A_9], %squeeze3A_8 {strides = array<i32>} : memref<16384xf32, #tpu.memory_space<vmem>>, vector<16384xf32>,
    %slice3A_11 = vector.extract_strided_slice %dot_general3A_5 {offsets = [2, 0], sizes = [1, 16384], strides = [1, 1]} : vector<4x16384xf32> to vector<1x16384xf32>
    %squeeze3A_12 = vector.shape_cast %slice3A_11 : vector<1x16384xf32> to vector<16384xf32>
    %swap3A_13 = arith.constant 0 : index
    %swap3A_14 = vector.load %arg5[%swap3A_13] : memref<16384xf32, #tpu.memory_space<vmem>>, vector<16384xf32>
    tpu.vector_store %arg5[%swap3A_13], %squeeze3A_12 {strides = array<i32>} : memref<16384xf32, #tpu.memory_space<vmem>>, vector<16384xf32>,
    %slice3A_15 = vector.extract_strided_slice %dot_general3A_5 {offsets = [3, 0], sizes = [1, 16384], strides = [1, 1]} : vector<4x16384xf32> to vector<1x16384xf32>
    %squeeze3A_16 = vector.shape_cast %slice3A_15 : vector<1x16384xf32> to vector<16384xf32>
    %swap3A_17 = arith.constant 0 : index
    %swap3A_18 = vector.load %arg6[%swap3A_17] : memref<16384xf32, #tpu.memory_space<vmem>>, vector<16384xf32>
    tpu.vector_store %arg6[%swap3A_17], %squeeze3A_16 {strides = array<i32>} : memref<16384xf32, #tpu.memory_space<vmem>>, vector<16384xf32>,
    return
  }
  func.func @transform_0(%arg0: i32) -> (i32, i32) {
    %c0_i32 = arith.constant 0 : i32
    %c0_i32_0 = arith.constant 0 : i32
    %c0_i32_1 = arith.constant 0 : i32
    return %c0_i32, %c0_i32_0 : i32, i32
  }
  func.func @transform_1(%arg0: i32) -> (i32, i32) {
    %c0_i32 = arith.constant 0 : i32
    %c0_i32_0 = arith.constant 0 : i32
    return %c0_i32, %arg0 : i32, i32
  }
  func.func @transform_2(%arg0: i32) -> i32 {
    %c0_i32 = arith.constant 0 : i32
    return %arg0 : i32
  }
  func.func @transform_3(%arg0: i32) -> i32 {
    %c0_i32 = arith.constant 0 : i32
    return %arg0 : i32
  }
  func.func @transform_4(%arg0: i32) -> i32 {
    %c0_i32 = arith.constant 0 : i32
    return %arg0 : i32
  }
  func.func @transform_5(%arg0: i32) -> i32 {
    %c0_i32 = arith.constant 0 : i32
    return %arg0 : i32
  }
}

module attributes {stable_mosaic.version = 14 : i64} {
  func.func @body(%arg0: memref<4x4096xf32, #tpu.memory_space<vmem>>, %arg1: memref<4096x1xi32, #tpu.memory_space<vmem>>, %arg2: memref<4096x1xi32, #tpu.memory_space<vmem>>, %arg3: memref<1x4xf32, #tpu.memory_space<vmem>>, %arg4: memref<4096x4xf32, #tpu.memory_space<vmem>>) attributes {dimension_semantics = [], scalar_prefetch = 0 : i64, scratch_operands = 0 : i64, tpu.core_type = #tpu.core_type<tc>} {
    %get3A = arith.constant 0 : index
    %get3A_0 = arith.constant 0 : index
    %get3A_1 = vector.load %arg2[%get3A, %get3A_0] : memref<4096x1xi32, #tpu.memory_space<vmem>>, vector<4096x1xi32>
    %get3A_2 = arith.constant 0 : index
    %get3A_3 = arith.constant 0 : index
    %get3A_4 = vector.load %arg1[%get3A_2, %get3A_3] : memref<4096x1xi32, #tpu.memory_space<vmem>>, vector<4096x1xi32>
    %sub3A = arith.subi %get3A_1, %get3A_4 : vector<4096x1xi32>
    %convert_element_type3A = arith.sitofp %sub3A : vector<4096x1xi32> to vector<4096x1xf32>
    %max3A = arith.constant 1.000000e+00 : f32
    %max3A_5 = vector.broadcast %max3A : f32 to vector<4096x1xf32>
    %max3A_6 = arith.maximumf %convert_element_type3A, %max3A_5 : vector<4096x1xf32>
    %div3A = arith.constant 1.000000e+00 : f32
    %div3A_7 = vector.broadcast %div3A : f32 to vector<4096x1xf32>
    %div3A_8 = arith.divf %div3A_7, %max3A_6 : vector<4096x1xf32>
    %get3A_9 = arith.constant 0 : index
    %get3A_10 = arith.constant 0 : index
    %get3A_11 = vector.load %arg0[%get3A_9, %get3A_10] : memref<4x4096xf32, #tpu.memory_space<vmem>>, vector<4x4096xf32>
    %transpose3A = tpu.transpose %get3A_11, [1, 0] : vector<4x4096xf32> -> vector<4096x4xf32>
    %mul3A = vector.broadcast %div3A_8 : vector<4096x1xf32> to vector<4096x4xf32>
    %mul3A_12 = arith.mulf %transpose3A, %mul3A : vector<4096x4xf32>
    %get3A_13 = arith.constant 0 : index
    %get3A_14 = arith.constant 0 : index
    %get3A_15 = vector.load %arg3[%get3A_13, %get3A_14] : memref<1x4xf32, #tpu.memory_space<vmem>>, vector<1x4xf32>
    %add3A = vector.broadcast %get3A_15 : vector<1x4xf32> to vector<4096x4xf32>
    %add3A_16 = arith.addf %mul3A_12, %add3A : vector<4096x4xf32>
    %swap3A = arith.constant 0 : index
    %swap3A_17 = arith.constant 0 : index
    %swap3A_18 = vector.load %arg4[%swap3A, %swap3A_17] : memref<4096x4xf32, #tpu.memory_space<vmem>>, vector<4096x4xf32>
    tpu.vector_store %arg4[%swap3A, %swap3A_17], %add3A_16 {strides = array<i32>} : memref<4096x4xf32, #tpu.memory_space<vmem>>, vector<4096x4xf32>,
    return
  }
}

</mosaic_0001>

<sc_bundles>
// kernel: kernel.5.cloned.1.call-start
scs
__scs_entry_jumppad:
0x0: {  	(pc) =	sbr.rel $0x88, $3  }
0x1: {  	(tag) =	ssettag $0x0;
	lr =	simm.s32 $0x1  }
0x2: {  	[smem:$0x3F9C] =	sst lr;
	_ =	strace $0xD0000000  }
0x3: {  	_ = 	snop  }
0x4: {  	_ = 	snop  }
0x5: {  	_ = 	snop  }
0x6: {  	_ = 	snop  }
0x7: {  	_ = 	snop  }
__scs_overlays_trampoline_lowered:
0x8: {  	[smem:$0x3FAB] =	sst s0  }
0x9: {  	[smem:$0x3FAC] =	sst s1  }
0xa: {  	[smem:$0x3FAD] =	sst s2  }
0xb: {  	[smem:$0x3FAE] =	sst s3  }
0xc: {  	[smem:$0x3FAF] =	sst s4  }
0xd: {  	[smem:$0x3FB0] =	sst s5  }
0xe: {  	[smem:$0x3FB1] =	sst s6  }
0xf: {  	[smem:$0x3FB2] =	sst s7  }
0x10: {  	[smem:$0x3FB3] =	sst s8  }
0x11: {  	[smem:$0x3FB4] =	sst s9;
	s0 =	simm.s32 @!p0 $0x0  }
0x12: {  	s1 =	sld [smem:$0x3F9A];
	s0 =	simm.s32 @p0 $0x1  }
0x13: {  	[smem:$0x3FB5] =	sst s0;
	s0 =	simm.s32 @!p1 $0x0  }
0x14: {  	s2 =	sld [smem:$0x3F99];
	s0 =	simm.s32 @p1 $0x1  }
0x15: {  	[smem:$0x3FB6] =	sst s0;
	s0 =	simm.s32 @!p2 $0x0  }
0x16: {  	s3 =	sld [smem:$0x3FDB];
	s0 =	simm.s32 @p2 $0x1  }
0x17: {  	s4 =	simm.s32 $0x1BF5;
	[smem:$0x3FB8] =	sst s0  }
0x18: {  	s0 =	sld [smem:$0x3F9B];
	_ =	swait.ge [sflag:s4], $0x0  }
0x19: {  	s7 =	sld [smem:$0x3F9C]  }
0x1a: {  	s8 =	sadd.s32 $0xFFFFE003, lr  }
0x1b: {  	s9 =	sadd.s32 $0xFFFFFEF7, lr;
	s5 =	simm.s32 $0xFFFFFFFF;
	p2 =	slt.u32 s8, $0xFFFFF086  }
0x1c: {  	p1 =	slt.u32 s9, $0xF7A;
	s5 =	simm.s32 @!p2 $0x0  }
0x1d: {  	s5 =	simm.s32 @p1 $0x1;
	p0 =	seq.s32 s7, s2  }
0x1e: {  	s7 =	smul.u32 @!p0 $0xF7A, s2;
	p2 =	seq.s32 @!p0 s5, $0x0  }
0x1f: {  	s9 =	smul.u32 $0xF7A, s1;
	s8 =	simm.s32 @!p0 $0x1BF5;
	p2 =	por !p2, p0  }
0x20: {  	[sflag:s8] =	ssyncset.s32 @!p0 $0xFFFFF086;
	s6 =	sadd.s32 @!p0 s3, s7;
	s7 =	simm.s32 @!p0 $0x108  }
0x21: {  	s3 =	sadd.s32 s3, s9;
	s6 =	sadd.s32 @!p0 $0x88, s6;
	s7 =	simm.s32 @p2 $0x1082  }
0x22: {  	[simem:s7], [sflag:s8] =	dma.local @!p0 [hbm:s6], $0xF7A  }
0x23: {  	s9 =	sor.u32 $0xD0000000, s2;
	s6 =	simm.s32 $0x108;
	_ =	swait.ge @!p0 [sflag:s8], $0x0  }
0x24: {  	s3 =	sadd.s32 $0x88, s3;
	s6 =	simm.s32 @!p1 $0x1082;
	[sflag:s4] =	ssyncset.s32 $0xFFFFF086  }
0x25: {  	[simem:s6], [sflag:s4] =	dma.local [hbm:s3], $0xF7A  }
0x26: {  	[smem:$0x3F9C] =	sst s1;
	(tag) =	ssettag s2;
	_ =	strace s9  }
0x27: {  	s1 =	sld [smem:$0x3FAC]  }
0x28: {  	s2 =	sld [smem:$0x3FAD]  }
0x29: {  	s4 =	sld [smem:$0x3FAF]  }
0x2a: {  	p0 =	seq.s32 s5, $0x0;
	s5 =	sld [smem:$0x3FB0]  }
0x2b: {  	s6 =	sld [smem:$0x3FB1]  }
0x2c: {  	s7 =	sld [smem:$0x3FB2]  }
0x2d: {  	s3 =	simm.s32 $0x108;
	s8 =	sld [smem:$0x3FB3]  }
0x2e: {  	s3 =	simm.s32 @!p0 $0x1082;
	s9 =	sld [smem:$0x3FB4]  }
0x2f: {  	lr =	sadd.s32 s0, s3;
	s0 =	sld [smem:$0x3FAB]  }
0x30: {  	s3 =	sld [smem:$0x3FAE]  }
0x31: {  	[smem:$0x3FB7] =	sst s10  }
0x32: {  	s10 =	sld [smem:$0x3FB5];
	_ =	sdelay $0x3  }
0x33: {  	p0 =	seq.s32 s10, $0x1;
	s10 =	sld [smem:$0x3FB7];
	_ =	sdelay $0x3  }
0x34: {  	[smem:$0x3FB7] =	sst s10  }
0x35: {  	s10 =	sld [smem:$0x3FB6];
	_ =	sdelay $0x3  }
0x36: {  	p1 =	seq.s32 s10, $0x1;
	s10 =	sld [smem:$0x3FB7];
	_ =	sdelay $0x3  }
0x37: {  	[smem:$0x3FB7] =	sst s10  }
0x38: {  	s10 =	sld [smem:$0x3FB8]  }
0x39: {  	_ = 	snop;
	(pc) =	sbr.ind lr, $3  }
0x3a: {  	_ = 	snop  }
0x3b: {  	_ = 	snop  }
0x3c: {  	p2 =	seq.s32 s10, $0x1;
	s10 =	sld [smem:$0x3FB7]  }
0x3d: {  	_ =	shalt  }
0x3e: {  	_ =	shalt  }
0x3f: {  	_ =	shalt  }
0x40: {  	_ =	shalt  }
0x41: {  	_ =	shalt  }
0x42: {  	_ =	shalt  }
0x43: {  	_ =	shalt  }
0x44: {  	_ =	shalt  }
0x45: {  	_ =	shalt  }
0x46: {  	_ =	shalt  }
0x47: {  	_ =	shalt  }
0x48: {  	_ =	shalt  }
0x49: {  	_ =	shalt  }
0x4a: {  	_ =	shalt  }
0x4b: {  	_ =	shalt  }
0x4c: {  	_ =	shalt  }
0x4d: {  	_ =	shalt  }
0x4e: {  	_ =	shalt  }
0x4f: {  	_ =	shalt  }
0x50: {  	_ =	shalt  }
0x51: {  	_ =	shalt  }
0x52: {  	_ =	shalt  }
0x53: {  	_ =	shalt  }
0x54: {  	_ =	shalt  }
0x55: {  	_ =	shalt  }
0x56: {  	_ =	shalt  }
0x57: {  	_ =	shalt  }
0x58: {  	_ =	shalt  }
0x59: {  	_ =	shalt  }
0x5a: {  	_ =	shalt  }
0x5b: {  	_ =	shalt  }
0x5c: {  	_ =	shalt  }
0x5d: {  	_ =	shalt  }
0x5e: {  	_ =	shalt  }
0x5f: {  	_ =	shalt  }
0x60: {  	_ =	shalt  }
0x61: {  	_ =	shalt  }
0x62: {  	_ =	shalt  }
0x63: {  	_ =	shalt  }
0x64: {  	_ =	shalt  }
0x65: {  	_ =	shalt  }
0x66: {  	_ =	shalt  }
0x67: {  	_ =	shalt  }
0x68: {  	_ =	shalt  }
0x69: {  	_ =	shalt  }
0x6a: {  	_ =	shalt  }
0x6b: {  	_ =	shalt  }
0x6c: {  	_ =	shalt  }
0x6d: {  	_ =	shalt  }
0x6e: {  	_ =	shalt  }
0x6f: {  	_ =	shalt  }
0x70: {  	_ =	shalt  }
0x71: {  	_ =	shalt  }
0x72: {  	_ =	shalt  }
0x73: {  	_ =	shalt  }
0x74: {  	_ =	shalt  }
0x75: {  	_ =	shalt  }
0x76: {  	_ =	shalt  }
0x77: {  	_ =	shalt  }
0x78: {  	_ =	shalt  }
0x79: {  	_ =	shalt  }
0x7a: {  	_ =	shalt  }
0x7b: {  	_ =	shalt  }
0x7c: {  	_ =	shalt  }
0x7d: {  	_ =	shalt  }
0x7e: {  	_ =	shalt  }
0x7f: {  	_ =	shalt  }
0x80: {  	_ =	shalt  }
0x81: {  	_ =	shalt  }
0x82: {  	_ =	shalt  }
0x83: {  	_ =	shalt  }
0x84: {  	_ =	shalt  }
0x85: {  	_ =	shalt  }
0x86: {  	_ =	shalt  }
0x87: {  	_ =	shalt  }
.Lfunc_end0:
.L_simem_size_0:
called_computation_lowered:
.L_overlay_start_0:
0x88: {  	s2 =	sld [smem:$0x3FD9]  }
0x89: {  	s3 =	sld [smem:$0x3FFE];
	_ =	sdelay $0x1  }
0x8a: {  	s1 =	srdreg.scid  }
0x8b: {  	s0 =	sand.u32 $0x1, s1  }
0x8c: {  	s17 =	sshll.u32 s0, $0xA;
	s2 =	sadd.s32 s3, s2  }
0x8d: {  	s2 =	sadd.s32 s2, s17  }
0x8e: {  	[smem:$0x3FC3] =	sst s2  }
0x8f: {  	_ = 	snop  }
0x90: {  	s2 =	sld [smem:$0x3FD0];
	(tm) =	ssettm $0x1  }
0x91: {  	s18 =	sld [smem:$0x3FFB];
	_ =	sdelay $0x3  }
0x92: {  	_ =	strace s18  }
0x93: {  	s3 =	sld [smem:$0x3FFC];
	_ =	sdelay $0x3  }
0x94: {  	_ =	strace s3  }
0x95: {  	s3 =	sld [smem:$0x3FFD];
	_ =	sdelay $0x3  }
0x96: {  	_ =	strace s3  }
0x97: {  	_ =	strace $0x8FFFFFFF  }
0x98: {  	s19 =	sld [smem:$0x3FDB];
	_ =	sdelay $0x1  }
0x99: {  	s4 =	simm.s32 $_scs_section_size  }
0x9a: {  	s5 =	simm.s32 $_size__tile_overlayer_lowered;
	s6 =	simm.s32 $_tile_overlayer_lowered  }
0x9b: {  	s22 =	simm.s32 $0x1BFF;
	s21 =	sshll.u32 s6, $0x1;
	s3 =	sadd.s32 s4, s19  }
0x9c: {  	s7 =	simm.s32 $0x0;
	s20 =	sshll.u32 s5, $0x1;
	s5 =	sadd.s32 s21, s3  }
0x9d: {  	[timem:s7], [sflag:s22] =	dma.local [hbm:s5], s20  }
0x9e: {  	_ =	swait.ge [sflag:s22], s20  }
0x9f: {  	s4 =	ssub.s32 $0x0, s20;
	[sflag:s22] =	ssyncset.done $0x0  }
0xa0: {  	[sflag:s22] =	ssyncadd.s32 s4;
	_ =	sdelay $0x1  }
0xa1: {  	s23 =	simm.s32 $0x1B8B  }
0xa2: {  	_ =	swait.ge [sflag:s23], $0x1  }
0xa3: {  	[sflag:s23] =	ssyncset.done $0x0  }
0xa4: {  	s25 =	simm.s32 $0x1B8E;
	s24 =	sld [smem:$0x3FFE];
	[sflag:s23] =	ssyncadd.s32 $0xFFFFFFFF  }
0xa5: {  	s26 =	simm.s32 $execute0_lowered;
	[smem:$0x3FD2] =	sst s25  }
0xa6: {  	s5 =	sshll.u32 s26, $0x1;
	_ =	strace $0x80000046;
	[dreg:$0x1] =	wrdreg $0xFFFFFFFF  }
0xa7: {  	s28 =	simm.s32 $_size_execute0_lowered;
	s3 =	sadd.s32 s3, s5;
	[dreg:$0x0] =	wrdreg $0x0  }
0xa8: {  	s5 =	sshll.u32 s28, $0x1;
	[dreg:$0x2] =	wrdreg s3  }
0xa9: {  	[dreg:$0x3] =	wrdreg s5  }
0xaa: {  	[dreg:$0x4] =	wrdreg $0xC0  }
0xab: {  	_ =	task [dreg:s7], $0x5FFFF  }
0xac: {  	[dreg:$0x1] =	wrdreg $0xFFFFFFFF  }
0xad: {  	[dreg:$0x0] =	wrdreg $0x60  }
0xae: {  	[dreg:$0x2] =	wrdreg s24  }
0xaf: {  	[dreg:$0x3] =	wrdreg s2  }
0xb0: {  	[dreg:$0x4] =	wrdreg $0x18880  }
0xb1: {  	[dreg:$0x5] =	wrdreg $0x19100  }
0xb2: {  	[dreg:$0x6] =	wrdreg $0x19980  }
0xb3: {  	[dreg:$0x7] =	wrdreg $0x1A200  }
0xb4: {  	[dreg:$0x8] =	wrdreg $0x9  }
0xb5: {  	_ =	task.clear_ibuf [dreg:s7], $0x9FFFF;
	_ =	strace $0x90000046  }
0xb6: {  	s29 =	simm.s32 $0x9;
	_ =	strace $0x80000048  }
0xb7: {  	_ =	swait.ge [sflag:s29], $0x1  }
0xb8: {  	[sflag:s29] =	ssyncadd.s32 $0xFFFFFFFF  }
0xb9: {  	_ =	strace $0x90000048  }
0xba: {  	_ =	sfence  }
0xbb: {  	s30 =	sld [smem:$0x0];
	_ =	sdelay $0x2  }
0xbc: {  	s31 =	sshll.u32 s1, $0xD;
	s1 =	sshrl.u32 s1, $0x2  }
0xbd: {  	s3 =	sand.u32 $0x4000, s31;
	s1 =	sadd.s32 s1, s30  }
0xbe: {  	s0 =	sor.u32 s3, s0;
	s1 =	sshll.u32 s1, $0x11  }
0xbf: {  	s0 =	sor.u32 s1, s0  }
0xc0: {  	s0 =	sadd.s32 $0x8F2B, s0  }
0xc1: {  	[sflag:s0] =	ssyncadd.remote.s32 $0x1  }
0xc2: {  	_ =	sfence.sel $0xFFFF  }
0xc3: {  	[dreg:$0x0] =	wrdreg $0xFFFFFFFF;
	(pc) =	sbr.abs _section_cstart, $3  }
0xc4: {  	[dreg:$0x1] =	wrdreg $0xFFFFFFFF  }
0xc5: {  	_ =	task.clear_ibuf [dreg:s7], $0x2FFFF;
	_ =	strace $0x9FFFFFFF  }
0xc6: {  	(tm) =	ssettm $0x7FFFFFFF  }
0xc7: {  	_ =	shalt  }
tec
execute0_lowered:
.L_overlay_start_1:
0x0: {  	(tag) =	ssettag $0x1  }
0x1: {  	s0 =	rddreg [dreg:$0x0]  }
0x2: {  	s4 =	rddreg [dreg:$0x1]  }
0x3: {  	s1 =	rddreg [dreg:$0x2]  }
0x4: {  	s2 =	rddreg [dreg:$0x3]  }
0x5: {  	s3 =	rddreg [dreg:$0x4]  }
0x6: {  	s5 =	rddreg [dreg:$0x5]  }
0x7: {  	s7 =	srdreg.scid;
	s6 =	simm.s32 $0x0;
	s16 =	stileid.u32  }
0x8: {  	s23 =	simm.s32 $0x2;
	s28 =	simm.s32 $0x400;
	s29 =	simm.s32 $0x888  }
0x9: {  	s30 =	simm.s32 $0xC88;
	s11 =	sand.u32 $0x1, s7;
	[smem:$0x7FF] =	sst s6  }
0xa: {  	s8 =	sshll.u32 s16, $0x5;
	s7 =	sadd.s32 $0x7BE00, s0;
	s10 =	sadd.s32 $0x3EA00, s0  }
0xb: {  	s17 =	smul.u32 $0x88, s16;
	s12 =	sadd.s32 $0x82800, s0;
	s9 =	sshll.u32 s11, $0x4  }
0xc: {  	_ =	strace $0x80000047;
	s15 =	ssub.s32 $0x2, s11;
	s11 =	sadd.s32 $0x5D400, s0  }
0xd: {  	s13 =	sor.u32 s9, s8;
	s8 =	sadd.s32 $0x1600, s0;
	s22 =	sadd.s32 s17, s1  }
0xe: {  	s9 =	sadd.s32 $0x20000, s0;
	s20 =	sadd.s32 s17, s3;
	[dreg:$0x8] =	wrdreg s22  }
0xf: {  	s21 =	sshrl.u32 s15, $0x1;
	s4 =	sadd.s32 s4, s13;
	[dreg:$0x9] =	wrdreg s20  }
0x10: {  	s14 =	sadd.s32 s13, s0;
	s26 =	sshrl.u32 s22, $0x3;
	[dreg:$0xa] =	wrdreg s4  }
0x11: {  	s0 =	ssub.s32 s15, s21;
	s21 =	sadd.s32 s17, s5;
	[dreg:$0x10] =	wrdreg s26  }
0x12: {  	s31 =	simm.s32 $0x1088;
	s14 =	sadd.s32 $0x82400, s14;
	[dreg:$0xb] =	wrdreg s21  }
0x13: {  	s19 =	simm.s32 $0x0;
	s13 =	sadd.s32 $0x200, s4;
	[dreg:$0x7] =	wrdreg s14  }
.Ltmp0:
0x14: {  	v2 =	vimm.s32 $0x40;
	s24 =	sadd.s32 $0x400, s4;
	[dreg:$0xc] =	wrdreg s13;
	(pc) =	sbr.rel .LBB2_1-.Ltmp0, $4  }
0x15: {  	s25 =	sshll.u32 s16, $0x6;
	s4 =	sadd.s32 $0x600, s4;
	[dreg:$0xd] =	wrdreg s24  }
0x16: {  	s15 =	sadd.s32 s17, s2;
	s0 =	smax.u32 s0, $0x1;
	[dreg:$0xe] =	wrdreg s4  }
0x17: {  	v1 =	vlaneseq.u32;
	v3 =	vimm.s32 $0x80;
	s26 =	simm.s32 $0x88;
	[dreg:$0xf] =	wrdreg s0;
	s24 =	sor.u32 $0x1C02, s25  }
0x18: {  	v4 =	vimm.s32 $0x60;
	v5 =	vimm.s32 $0xFFFFFFFF;
	v0 =	vmov s17;
	s0 =	simm.s32 $0x1488;
	s4 =	simm.s32 $0x1;
	s13 =	simm.s32 $0x488  }
.LBB2_6:
0x19: {  	s14 =	rddreg [dreg:$0x8]  }
0x1a: {  	[tilespmem:s29], [sflag:$0x2] =	stream.linear.gather [spmem:s14], $0x80, $0x38;
	[tilespmem:$0x1AA8] =	vst v63  }
0x1b: {  	_ =	swait.ge [sflag:s23], $0x80  }
0x1c: {  	[sflag:s23] =	ssyncset.done $0x0  }
0x1d: {  	s17 =	rddreg [dreg:$0xa];
	[sflag:s23] =	ssyncadd.s32 $0xFFFFFF80  }
0x1e: {  	[hbm4b:s17+s6] =	stream.linear.scatter [tilespmem:s29], [sflag:$0x2], $0x80, $0x38;
	[tilespmem:$0x1AA8] =	vst v63  }
0x1f: {  	_ =	swait.ge [sflag:s23], $0x80  }
0x20: {  	[sflag:s23] =	ssyncset.done $0x0  }
0x21: {  	[sflag:s23] =	ssyncadd.s32 $0xFFFFFF80  }
0x22: {  	[tilespmem:s30], [sflag:$0x2] =	stream.linear.gather [spmem:s18], $0x80, $0x38;
	[tilespmem:$0x1AA8] =	vst v63  }
0x23: {  	_ =	swait.ge [sflag:s23], $0x80  }
0x24: {  	[sflag:s23] =	ssyncset.done $0x0  }
0x25: {  	s20 =	rddreg [dreg:$0xc];
	[sflag:s23] =	ssyncadd.s32 $0xFFFFFF80  }
0x26: {  	[hbm4b:s20+s6] =	stream.linear.scatter [tilespmem:s30], [sflag:$0x2], $0x80, $0x38;
	[tilespmem:$0x1AA8] =	vst v63  }
0x27: {  	_ =	swait.ge [sflag:s23], $0x80  }
0x28: {  	[sflag:s23] =	ssyncset.done $0x0  }
0x29: {  	s20 =	rddreg [dreg:$0x9];
	[sflag:s23] =	ssyncadd.s32 $0xFFFFFF80  }
0x2a: {  	[tilespmem:s31], [sflag:$0x2] =	stream.linear.gather [spmem:s20], $0x80, $0x38;
	[tilespmem:$0x1AA8] =	vst v63  }
0x2b: {  	_ =	swait.ge [sflag:s23], $0x80  }
0x2c: {  	[sflag:s23] =	ssyncset.done $0x0  }
0x2d: {  	s21 =	rddreg [dreg:$0xd];
	[sflag:s23] =	ssyncadd.s32 $0xFFFFFF80  }
0x2e: {  	[hbm4b:s21+s6] =	stream.linear.scatter [tilespmem:s31], [sflag:$0x2], $0x80, $0x38;
	[tilespmem:$0x1AA8] =	vst v63  }
0x2f: {  	_ =	swait.ge [sflag:s23], $0x80  }
0x30: {  	[sflag:s23] =	ssyncset.done $0x0  }
0x31: {  	s21 =	rddreg [dreg:$0xb];
	[sflag:s23] =	ssyncadd.s32 $0xFFFFFF80  }
0x32: {  	[tilespmem:s0], [sflag:$0x2] =	stream.linear.gather [spmem:s21], $0x80, $0x38;
	[tilespmem:$0x1AA8] =	vst v63  }
0x33: {  	_ =	swait.ge [sflag:s23], $0x80  }
0x34: {  	[sflag:s23] =	ssyncset.done $0x0  }
0x35: {  	s22 =	rddreg [dreg:$0xe];
	[sflag:s23] =	ssyncadd.s32 $0xFFFFFF80  }
0x36: {  	[hbm4b:s22+s6] =	stream.linear.scatter [tilespmem:s0], [sflag:$0x2], $0x80, $0x38;
	[tilespmem:$0x1AA8] =	vst v63  }
0x37: {  	_ =	swait.ge [sflag:s23], $0x80  }
0x38: {  	s19 =	sadd.s32 $0x1, s19;
	s25 =	rddreg [dreg:$0xf]  }
0x39: {  	p0 =	sne.s32 s19, s25  }
.Ltmp1:
0x3a: {  	_ = 	snop;
	(pc) =	sbr.rel @!p0 .LBB2_7-.Ltmp1, $3  }
0x3b: {  	_ =	sdelay $0x1  }
0x3c: {  	[sflag:s23] =	ssyncset.done $0x0  }
0x3d: {  	s15 =	smov.u32 s18;
	[sflag:s23] =	ssyncadd.s32 $0xFFFFFF80  }
.LBB2_1:
0x3e: {  	s14 =	rddreg [dreg:$0x7]  }
0x3f: {  	[tilespmem:s6], [sflag:$0x2] =	stream.linear.gather [hbm4b:s14+s6], $0x88, $0x38;
	[tilespmem:$0x1AA8] =	vst v63  }
0x40: {  	_ =	swait.ge [sflag:s23], $0x88  }
0x41: {  	[sflag:s23] =	ssyncset.done $0x0  }
0x42: {  	s25 =	rddreg [dreg:$0x10];
	[sflag:s23] =	ssyncadd.s32 $0xFFFFFF78  }
0x43: {  	[spmem:s25], [sflag:s24] =	dma.local [hbm:s12], $0x11  }
0x44: {  	_ =	swait.ge [sflag:s23], $0x11  }
0x45: {  	[sflag:s23] =	ssyncset.done $0x0  }
0x46: {  	s16 =	sshrl.u32 s15, $0x3;
	[sflag:s23] =	ssyncadd.s32 $0xFFFFFFEF  }
0x47: {  	[spmem:s16], [sflag:s24] =	dma.local [hbm:s12], $0x11  }
0x48: {  	_ =	swait.ge [sflag:s23], $0x11  }
0x49: {  	[sflag:s23] =	ssyncset.done $0x0  }
0x4a: {  	s17 =	sshrl.u32 s20, $0x3;
	[sflag:s23] =	ssyncadd.s32 $0xFFFFFFEF  }
0x4b: {  	[spmem:s17], [sflag:s24] =	dma.local [hbm:s12], $0x11  }
0x4c: {  	_ =	swait.ge [sflag:s23], $0x11  }
0x4d: {  	[sflag:s23] =	ssyncset.done $0x0  }
0x4e: {  	s20 =	sshrl.u32 s21, $0x3;
	[sflag:s23] =	ssyncadd.s32 $0xFFFFFFEF  }
0x4f: {  	[spmem:s20], [sflag:s24] =	dma.local [hbm:s12], $0x11  }
0x50: {  	_ =	swait.ge [sflag:s23], $0x11  }
0x51: {  	[sflag:s23] =	ssyncset.done $0x0  }
0x52: {  	[sflag:s23] =	ssyncadd.s32 $0xFFFFFFEF  }
0x53: {  	v6 =	vld [tilespmem:$0x0];
	_ =	sdelay $0x3  }
0x54: {  	v7 =	vld [tilespmem:$0x78]  }
0x55: {  	(v2sf) =	vpush v6, $0x0;
	_ =	sdelay $0x3  }
0x56: {  	(v2sf) =	vpush v7, $0x8;
	_ =	sdelay $0xa  }
0x57: {  	s21 =	spop (v2sf)  }
0x58: {  	s22 =	sshra.s32 s21, $0x1F  }
0x59: {  	s18 =	smov.u32 s15;
	s15 =	sshrl.u32 s22, $0x1D  }
0x5a: {  	s14 =	sadd.s32 s15, s21  }
0x5b: {  	s25 =	spop (v2sf);
	s17 =	sand.u32 $0xFFFFFFF8, s14  }
0x5c: {  	s14 =	ssub.s32 s25, s17  }
0x5d: {  	s14 =	sadd.s32 $0x3FF, s14  }
0x5e: {  	p0 =	slt.s32 s14, $0x400  }
.Ltmp2:
0x5f: {  	_ = 	snop;
	(pc) =	sbr.rel @p0 .LBB2_6-.Ltmp2, $1  }
0x60: {  	_ =	sdelay $0x3  }
0x61: {  	s15 =	sshra.s32 s14, $0x1F  }
0x62: {  	s15 =	sshrl.u32 s15, $0x16  }
0x63: {  	s22 =	smov.u32 s17;
	s25 =	sadd.s32 s15, s14  }
0x64: {  	v6 =	vbroadcast v6, $0x0;
	v7 =	vbroadcast v7, $0x8;
	s14 =	simm.s32 $0x0;
	s21 =	sshra.s32 s25, $0xA;
	s25 =	simm.s32 $0x0  }
.LBB2_3:
0x65: {  	s15 =	sshll.u32 s25, $0xA  }
0x66: {  	s15 =	sadd.s32 s17, s15  }
0x67: {  	s15 =	sshrl.u32 s15, $0x3  }
0x68: {  	s15 =	sadd.s32 s7, s15  }
0x69: {  	[tilespmem:s26], [sflag:$0x2] =	stream.linear.gather [hbm4b:s15+s14], $0x400, $0x38;
	[tilespmem:$0x1AA8] =	vst v63  }
0x6a: {  	_ =	swait.ge [sflag:s23], $0x400  }
0x6b: {  	[sflag:s23] =	ssyncset.done $0x0  }
0x6c: {  	[sflag:s23] =	ssyncadd.s32 $0xFFFFFC00  }
0x6d: {  	[tilespmem:s29], [sflag:$0x1] =	stream.indirect.gather [hbm4b:s8+s28], $0x1, s26, s28, $0xb8;
	[tilespmem:$0x1AA8] =	vst v63  }
0x6e: {  	_ = 	snop  }
0x6f: {  	[tilespmem:s30], [sflag:$0x1] =	stream.indirect.gather [hbm4b:s9+s28], $0x1, s26, s28, $0xb8;
	[tilespmem:$0x1AA8] =	vst v63  }
0x70: {  	_ = 	snop  }
0x71: {  	[tilespmem:s31], [sflag:$0x1] =	stream.indirect.gather [hbm4b:s10+s28], $0x1, s26, s28, $0xb8;
	[tilespmem:$0x1AA8] =	vst v63  }
0x72: {  	s20 =	smov.u32 s22;
	s15 =	simm.s32 $0x0  }
0x73: {  	[tilespmem:s0], [sflag:$0x1] =	stream.indirect.gather [hbm4b:s11+s28], $0x1, s26, s28, $0xb8;
	[tilespmem:$0x1AA8] =	vst v63  }
.LBB2_4:
0x74: {  	v8 =	vld.idx.msk [tilespmem:v2+s6+$0x0], $0xffff;
	_ =	sdelay $0x3  }
0x75: {  	v9 =	vadd.s32 s20, v1  }
0x76: {  	vm0 =	vgt.s32 v8, v9  }
0x77: {  	v8 =	vsel vm0, $0x20, v4;
	_ =	sdelay $0x4  }
0x78: {  	v10 =	vld.idx.msk [tilespmem:v8+s6+$0x0], $0xffff;
	_ =	sdelay $0x4  }
0x79: {  	v11 =	vsel vm0, $0x40, v3;
	vm1 =	vgt.s32 v10, v9  }
0x7a: {  	v57 =	vsel vm0, $0x0, v2;
	v11 =	vsel vm1, v8, v11  }
0x7b: {  	v8 =	vsel vm1, v57, v8;
	v58 =	vadd.s32 v5, v11  }
0x7c: {  	v12 =	vxor.u32 v58, v8  }
0x7d: {  	v10 =	vor.u32 v58, v8;
	v12 =	vshrl.u32 v12, $0x1  }
0x7e: {  	v10 =	vsub.s32 v10, v12;
	_ =	sdelay $0x4  }
0x7f: {  	v12 =	vld.idx.msk [tilespmem:v10+s6+$0x0], $0xffff;
	_ =	sdelay $0x4  }
0x80: {  	vm10 =	vgt.s32 v12, v9  }
0x81: {  	v11 =	vsel vm10, v10, v11  }
0x82: {  	v8 =	vsel vm10, v8, v10;
	v59 =	vadd.s32 v5, v11  }
0x83: {  	v60 =	vxor.u32 v59, v8  }
0x84: {  	v10 =	vor.u32 v59, v8;
	v12 =	vshrl.u32 v60, $0x1  }
0x85: {  	v10 =	vsub.s32 v10, v12  }
0x86: {  	v12 =	vand.u32 $0x7, v10  }
0x87: {  	v12 =	vadd.s32 v10, v12;
	_ =	sdelay $0x4  }
0x88: {  	v12 =	vld.idx.msk [tilespmem:v12+s6+$0x0], $0xffff;
	_ =	sdelay $0x4  }
0x89: {  	vm11 =	vgt.s32 v12, v9  }
0x8a: {  	v8 =	vsel vm11, v8, v10;
	v10 =	vsel vm11, v10, v11  }
0x8b: {  	v11 =	vxor.u32 v10, v8  }
0x8c: {  	v61 =	vand.u32 v10, v8;
	v11 =	vshrl.u32 v11, $0x1  }
0x8d: {  	v11 =	vadd.s32 v11, v61;
	_ =	sdelay $0x4  }
0x8e: {  	v12 =	vld.idx.msk [tilespmem:v11+s6+$0x0], $0xffff;
	_ =	sdelay $0x4  }
0x8f: {  	vm12 =	vgt.s32 v12, v9  }
0x90: {  	v8 =	vsel vm12, v8, v11;
	v10 =	vsel vm12, v11, v10  }
0x91: {  	v11 =	vadd.s32 v10, v8  }
0x92: {  	v11 =	vshrl.u32 v11, $0x1;
	_ =	sdelay $0x4  }
0x93: {  	v62 =	vld.idx.msk [tilespmem:v11+s6+$0x0], $0xffff;
	_ =	sdelay $0x4  }
0x94: {  	vm13 =	vgt.s32 v62, v9  }
0x95: {  	v8 =	vsel vm13, v8, v11;
	v10 =	vsel vm13, v11, v10  }
0x96: {  	v10 =	vadd.s32 v10, v8  }
0x97: {  	v10 =	vshrl.u32 v10, $0x1;
	_ =	sdelay $0x4  }
0x98: {  	v63 =	vld.idx.msk [tilespmem:v10+s6+$0x0], $0xffff;
	_ =	sdelay $0x3  }
0x99: {  	p0 =	sne.s32 s15, $0xFC0  }
.Ltmp3:
0x9a: {  	vm14 =	vge.s32 v9, v6;
	vm15 =	vlt.s32 v9, v7;
	vm2 =	vgt.s32 v63, v9;
	(pc) =	sbr.rel @p0 .LBB2_4-.Ltmp3, $4  }
0x9b: {  	vm0 =	vmand vm14, vm15;
	v8 =	vsel vm2, v8, v10  }
0x9c: {  	v8 =	vnsel vm0, $0x80, v8  }
0x9d: {  	s16 =	sshra.s32 s15, $0x2;
	v8 =	vadd.s32 v0, v8  }
0x9e: {  	s20 =	sadd.s32 $0x10, s20;
	s15 =	sadd.s32 $0x40, s15;
	[tilespmem:s16+$0x488] =	vst v8  }
0x9f: {  	_ =	swait.ge [sflag:s4], $0x400  }
0xa0: {  	[sflag:s4] =	ssyncset.done $0x0  }
0xa1: {  	[sflag:s4] =	ssyncadd.s32 $0xFFFFFC00  }
0xa2: {  	_ =	swait.ge [sflag:s4], $0x400  }
0xa3: {  	[sflag:s4] =	ssyncset.done $0x0  }
0xa4: {  	[sflag:s4] =	ssyncadd.s32 $0xFFFFFC00  }
0xa5: {  	_ =	swait.ge [sflag:s4], $0x400  }
0xa6: {  	[sflag:s4] =	ssyncset.done $0x0  }
0xa7: {  	[sflag:s4] =	ssyncadd.s32 $0xFFFFFC00  }
0xa8: {  	_ =	swait.ge [sflag:s4], $0x400  }
0xa9: {  	[sflag:s4] =	ssyncset.done $0x0  }
0xaa: {  	[sflag:s4] =	ssyncadd.s32 $0xFFFFFC00  }
0xab: {  	[spmem:s1] =	stream.indirect.scatter.add.f32 [tilespmem:s29], [sflag:$0x2], $0x1, s13, s28, $0xb8;
	[tilespmem:$0x1AA8] =	vst v63  }
0xac: {  	_ =	swait.ge [sflag:s23], $0x400  }
0xad: {  	[sflag:s23] =	ssyncset.done $0x0  }
0xae: {  	[sflag:s23] =	ssyncadd.s32 $0xFFFFFC00  }
0xaf: {  	[spmem:s2] =	stream.indirect.scatter.add.f32 [tilespmem:s30], [sflag:$0x2], $0x1, s13, s28, $0xb8;
	[tilespmem:$0x1AA8] =	vst v63  }
0xb0: {  	_ =	swait.ge [sflag:s23], $0x400  }
0xb1: {  	[sflag:s23] =	ssyncset.done $0x0  }
0xb2: {  	[sflag:s23] =	ssyncadd.s32 $0xFFFFFC00  }
0xb3: {  	[spmem:s3] =	stream.indirect.scatter.add.f32 [tilespmem:s31], [sflag:$0x2], $0x1, s13, s28, $0xb8;
	[tilespmem:$0x1AA8] =	vst v63  }
0xb4: {  	_ =	swait.ge [sflag:s23], $0x400  }
0xb5: {  	s25 =	sadd.s32 $0x1, s25;
	[sflag:s23] =	ssyncset.done $0x0  }
0xb6: {  	p0 =	sne.s32 s25, s21;
	[sflag:s23] =	ssyncadd.s32 $0xFFFFFC00  }
0xb7: {  	[spmem:s5] =	stream.indirect.scatter.add.f32 [tilespmem:s0], [sflag:$0x2], $0x1, s13, s28, $0xb8;
	[tilespmem:$0x1AA8] =	vst v63  }
.Ltmp4:
0xb8: {  	_ = 	snop;
	(pc) =	sbr.rel @p0 .LBB2_3-.Ltmp4, $4  }
.Ltmp5:
0xb9: {  	_ = 	snop;
	(pc) =	sbr.rel @!p0 .LBB2_6-.Ltmp5, $4  }
0xba: {  	_ =	swait.ge [sflag:s23], $0x400  }
0xbb: {  	[sflag:s23] =	ssyncset.done $0x0  }
0xbc: {  	s22 =	sadd.s32 $0x400, s22;
	[sflag:s23] =	ssyncadd.s32 $0xFFFFFC00  }
0xbd: {  	_ = 	snop  }
.LBB2_7:
0xbe: {  	_ =	sfence.sel $0x180000  }
0xbf: {  	[bflag:$0x0] =	sbarrier.arrive $0xFFFF  }
0xc0: {  	_ =	strace $0x90000047  }
0xc1: {  	s0 =	stileid.u32;
	[bflag:$0x2] =	sbarrier.arrive $0xFFFF  }
0xc2: {  	p0 =	sne.s32 s0, $0x0;
	s0 =	rddreg [dreg:$0x6]  }
0xc3: {  	s0 =	sadd.s32 @!p0 $0x100000, s0  }
0xc4: {  	[sflag:s0] =	ssyncadd.tile.s32 @!p0 $0x1;
	_ =	shalt  }
.Lfunc_end2:
_tile_overlayer_lowered:
.L_overlay_start_2:
0xc5: {  	(tag) =	ssettag $0x2  }
0xc6: {  	s0 =	rddreg [dreg:$0x0];
	s2 =	stileid.u32  }
0xc7: {  	s1 =	rddreg [dreg:$0x1];
	p0 =	sne.s32 s2, $0x0  }
0xc8: {  	s3 =	rddreg [dreg:$0x2];
	[bflag:$0x3] =	sbarrier.arrive $0xFFFF;
	s2 =	simm.s32 @!p0 $0x1C02  }
0xc9: {  	[timem:s3], [sflag:s2] =	dma.local @!p0 [hbm:s0], s1  }
0xca: {  	s0 =	simm.s32 @!p0 $0x2  }
0xcb: {  	_ =	swait.ge @!p0 [sflag:s0], s1  }
0xcc: {  	s1 =	ssub.s32 @!p0 $0x0, s1;
	[sflag:s0] =	ssyncset.done @!p0 $0x0  }
0xcd: {  	[sflag:s0] =	ssyncadd.s32 @!p0 s1  }
0xce: {  	[bflag:$0x3] =	sbarrier.arrive $0xFFFF  }
0xcf: {  	_ =	shalt  }

</sc_bundles>
